<compile_context>
chip_gen: v7x
topology: tpu7x:2x2x1
jax: 0.10.2.dev20260603
libtpu: 0.0.44.dev20260713+nightly
codegen_flags: <defaults>
</compile_context>

<pallas_src>
import jax
import jax.numpy as jnp
from jax import lax
from jax.experimental import pallas as pl
from jax.experimental.pallas import tpu as pltpu
from jax.experimental.pallas import tpu_sc as plsc

_NUM_CORES = 2
_NUM_SUBCORES = 16
_NW = _NUM_CORES * _NUM_SUBCORES
_CH = 8


def _sc_col_gather(idx32, x_t):
    dim = x_t.shape[0]
    batch = idx32.shape[0]
    b_per_w = batch // _NW
    n_pairs = b_per_w // (2 * _CH)

    mesh = plsc.VectorSubcoreMesh(core_axis_name="c", subcore_axis_name="s")

    @pl.kernel(
        out_type=jax.ShapeDtypeStruct((dim, batch), x_t.dtype),
        mesh=mesh,
        scratch_types=[
            pltpu.VMEM((b_per_w,), jnp.int32),
            pltpu.VMEM((_CH, dim, 128), x_t.dtype),
            pltpu.VMEM((_CH, dim, 128), x_t.dtype),
            pltpu.VMEM((dim, b_per_w), x_t.dtype),
            pltpu.SemaphoreType.DMA,
            pltpu.SemaphoreType.DMA,
            pltpu.SemaphoreType.DMA,
        ],
        compiler_params=pltpu.CompilerParams(needs_layout_passes=False),
    )
    def _gather(x_hbm, idx_hbm, out_hbm, idx_v, buf0, buf1, cols, sem0, sem1,
                osem):
        wid = lax.axis_index("s") * _NUM_CORES + lax.axis_index("c")
        base = wid * b_per_w
        pltpu.async_copy(idx_hbm.at[pl.ds(base, b_per_w)], idx_v, osem).wait()
        i16 = jax.lax.iota(jnp.int32, 16)

        def issue_chunk(p, half, buf, sem):
            v = idx_v[pl.ds(p * 2 * _CH, 16)]
            for j in range(_CH):
                t = v[half * _CH + j]
                g = pl.multiple_of((t >> 7) << 7, 128)
                pltpu.async_copy(
                    x_hbm.at[:, pl.ds(g, 128)], buf.at[j], sem
                )

        def drain_extract_chunk(p, half, buf, sem):
            for j in range(_CH):
                pltpu.make_async_copy(
                    x_hbm.at[:, pl.ds(0, 128)], buf.at[j], sem
                ).wait()
            v = idx_v[pl.ds(p * 2 * _CH, 16)]
            for j in range(_CH):
                t = v[half * _CH + j]
                pv = jnp.full((16,), t & 127, jnp.int32)
                cv = jnp.full((16,), p * 2 * _CH + half * _CH + j, jnp.int32)
                v0 = plsc.load_gather(buf.at[j], [i16, pv])
                v1 = plsc.load_gather(buf.at[j], [i16 + 16, pv])
                plsc.store_scatter(cols, [i16, cv], v0)
                plsc.store_scatter(cols, [i16 + 16, cv], v1)

        issue_chunk(0, 0, buf0, sem0)

        @pl.loop(0, n_pairs)
        def _(p):
            issue_chunk(p, 1, buf1, sem1)
            drain_extract_chunk(p, 0, buf0, sem0)

            @pl.when(p + 1 < n_pairs)
            def _():
                issue_chunk(p + 1, 0, buf0, sem0)

            drain_extract_chunk(p, 1, buf1, sem1)

        pltpu.async_copy(
            cols, out_hbm.at[:, pl.ds(base, b_per_w)], osem
        ).wait()

    return _gather(x_t, idx32)


def kernel(idx, table):
    idx32 = idx.astype(jnp.int32)
    out_t = _sc_col_gather(idx32, table.T)
    return out_t.T

# --- scband reference (transcript-rebuilt; emitter-appended) ---
"""Pipeline reference for scband-task2-vec-38869454028819 (READ-ONLY COPY).

The authoritative reference and input builder live on the scoring server;
editing this copy changes nothing except your own understanding.
"""

import jax, jax.numpy as jnp
import numpy as np

N_TASKS = 1000000
DIM = 32
BATCH = 16384


def setup_inputs(seed: int = 0) -> dict:
    key = jax.random.key(seed)
    k_idx, k_tab = jax.random.split(key)
    idx = jax.random.randint(k_idx, (BATCH,), 0, N_TASKS)
    # Learned parameter: the task-vector embedding table (nn.Embedding.weight)
    table = jax.random.normal(k_tab, (N_TASKS, DIM), dtype=jnp.float32)
    return {"idx": idx, "table": table}


def reference(idx, table):
    # Task2Vec.forward: self.embed(idx) -> embedding row gather
    return jnp.take(table, idx, axis=0)

if __name__ == "__main__":
    import jax
    _d = setup_inputs()
    print(jax.jit(kernel)(*tuple(_d.values())))

</pallas_src>

<mosaic_0001>
#map = affine_map<(d0, d1) -> (0, 0)>
#map1 = affine_map<(d0, d1) -> (0)>
module attributes {stable_mosaic.version = 14 : i64} {
  func.func @_gather(%arg0: i32, %arg1: i32, %arg2: memref<32x1000000xf32, #tpu.memory_space<hbm>>, %arg3: memref<16384xi32, #tpu.memory_space<hbm>>, %arg4: memref<32x16384xf32, #tpu.memory_space<hbm>>, %arg5: memref<512xi32, #tpu.memory_space<vmem>>, %arg6: memref<8x32x128xf32, #tpu.memory_space<vmem>>, %arg7: memref<8x32x128xf32, #tpu.memory_space<vmem>>, %arg8: memref<32x512xf32, #tpu.memory_space<vmem>>, %arg9: memref<!tpu.dma_semaphore, #tpu.memory_space<semaphore_mem>>, %arg10: memref<!tpu.dma_semaphore, #tpu.memory_space<semaphore_mem>>, %arg11: memref<!tpu.dma_semaphore, #tpu.memory_space<semaphore_mem>>) attributes {dimension_semantics = [#tpu.dimension_semantics<core_parallel>, #tpu.dimension_semantics<subcore_parallel>], iteration_bounds = array<i64: 2, 16>, scalar_prefetch = 0 : i64, scratch_operands = 7 : i64, tpu.core_type = #tpu.core_type<sc_vector_subcore>, window_params = [{transform_indices = #map}, {transform_indices = #map1}, {transform_indices = #map}]} {
    %mul3A = arith.constant 2 : i32
    %mul3A_0 = arith.muli %arg1, %mul3A : i32
    %add3A = arith.addi %mul3A_0, %arg0 : i32
    %mul3A_1 = arith.constant 512 : i32
    %mul3A_2 = arith.muli %add3A, %mul3A_1 : i32
    %dma_start3A = tpu.memref_slice %arg3[%mul3A_2] : memref<16384xi32, #tpu.memory_space<hbm>> -> memref<512xi32, #tpu.memory_space<hbm>>
    %dma_start3A_3 = tpu.memref_slice %arg3[%mul3A_2] : memref<16384xi32, #tpu.memory_space<hbm>> -> memref<512xi32, #tpu.memory_space<hbm>>
    tpu.enqueue_dma source(%dma_start3A_3 : memref<512xi32, #tpu.memory_space<hbm>>) target(%arg5 : memref<512xi32, #tpu.memory_space<vmem>>) target_semaphore(%arg11 : memref<!tpu.dma_semaphore, #tpu.memory_space<semaphore_mem>>)
    %dma_wait3A = tpu.memref_slice %arg3[%mul3A_2] : memref<16384xi32, #tpu.memory_space<hbm>> -> memref<512xi32, #tpu.memory_space<hbm>>
    %dma_wait3A_4 = tpu.memref_slice %arg3[%mul3A_2] : memref<16384xi32, #tpu.memory_space<hbm>> -> memref<512xi32, #tpu.memory_space<hbm>>
    tpu.wait_dma2 semaphore(%arg11 : memref<!tpu.dma_semaphore, #tpu.memory_space<semaphore_mem>>) src(%dma_wait3A_4 : memref<512xi32, #tpu.memory_space<hbm>>) dst(%arg5 : memref<512xi32, #tpu.memory_space<vmem>>)
    %iota3A = tpu.iota {dimensions = array<i32: 0>} : vector<16xi32>
    %get3A = arith.constant 0 : index
    %get3A_5 = tpu.vector_load %arg5[%get3A] {strides = array<i32>} : memref<512xi32, #tpu.memory_space<vmem>>, vector<16xi32>,
    %slice3A = vector.extract_strided_slice %get3A_5 {offsets = [0], sizes = [1], strides = [1]} : vector<16xi32> to vector<1xi32>
    %squeeze3A = vector.extract %slice3A[0] : i32 from vector<1xi32>
    %shift_right_arithmetic3A = arith.constant 7 : i32
    %shift_right_arithmetic3A_6 = arith.shrsi %squeeze3A, %shift_right_arithmetic3A : i32
    %shift_left3A = arith.constant 7 : i32
    %shift_left3A_7 = arith.shli %shift_right_arithmetic3A_6, %shift_left3A : i32
    %multiple_of3A = tpu.assume_multiple %shift_left3A_7, 128 : i32
    %dma_start3A_8 = arith.constant 0 : i32
    %dma_start3A_9 = arith.constant 0 : i32
    %dma_start3A_10 = arith.constant 0 : i32
    %dma_start3A_11 = tpu.memref_slice %arg6[%dma_start3A_8, %dma_start3A_9, %dma_start3A_10] : memref<8x32x128xf32, #tpu.memory_space<vmem>> -> memref<1x32x128xf32, #tpu.memory_space<vmem>>
    %dma_start3A_12 = tpu.memref_squeeze %dma_start3A_11 : memref<1x32x128xf32, #tpu.memory_space<vmem>> -> memref<32x128xf32, #tpu.memory_space<vmem>>
    %dma_start3A_13 = arith.constant 0 : i32
    %dma_start3A_14 = tpu.memref_slice %arg2[%dma_start3A_13, %multiple_of3A] : memref<32x1000000xf32, #tpu.memory_space<hbm>> -> memref<32x128xf32, #tpu.memory_space<hbm>>
    %dma_start3A_15 = arith.constant 0 : i32
    %dma_start3A_16 = arith.constant 0 : i32
    %dma_start3A_17 = tpu.memref_slice %arg6[%dma_start3A_8, %dma_start3A_15, %dma_start3A_16] : memref<8x32x128xf32, #tpu.memory_space<vmem>> -> memref<1x32x128xf32, #tpu.memory_space<vmem>>
    %dma_start3A_18 = tpu.memref_squeeze %dma_start3A_17 : memref<1x32x128xf32, #tpu.memory_space<vmem>> -> memref<32x128xf32, #tpu.memory_space<vmem>>
    %dma_start3A_19 = arith.constant 0 : i32
    %dma_start3A_20 = tpu.memref_slice %arg2[%dma_start3A_19, %multiple_of3A] : memref<32x1000000xf32, #tpu.memory_space<hbm>> -> memref<32x128xf32, #tpu.memory_space<hbm>>
    tpu.enqueue_dma source(%dma_start3A_20 : memref<32x128xf32, #tpu.memory_space<hbm>>) target(%dma_start3A_18 : memref<32x128xf32, #tpu.memory_space<vmem>>) target_semaphore(%arg9 : memref<!tpu.dma_semaphore, #tpu.memory_space<semaphore_mem>>)
    %slice3A_21 = vector.extract_strided_slice %get3A_5 {offsets = [1], sizes = [1], strides = [1]} : vector<16xi32> to vector<1xi32>
    %squeeze3A_22 = vector.extract %slice3A_21[0] : i32 from vector<1xi32>
    %shift_right_arithmetic3A_23 = arith.constant 7 : i32
    %shift_right_arithmetic3A_24 = arith.shrsi %squeeze3A_22, %shift_right_arithmetic3A_23 : i32
    %shift_left3A_25 = arith.constant 7 : i32
    %shift_left3A_26 = arith.shli %shift_right_arithmetic3A_24, %shift_left3A_25 : i32
    %multiple_of3A_27 = tpu.assume_multiple %shift_left3A_26, 128 : i32
    %dma_start3A_28 = arith.constant 1 : i32
    %dma_start3A_29 = arith.constant 0 : i32
    %dma_start3A_30 = arith.constant 0 : i32
    %dma_start3A_31 = tpu.memref_slice %arg6[%dma_start3A_28, %dma_start3A_29, %dma_start3A_30] : memref<8x32x128xf32, #tpu.memory_space<vmem>> -> memref<1x32x128xf32, #tpu.memory_space<vmem>>
    %dma_start3A_32 = tpu.memref_squeeze %dma_start3A_31 : memref<1x32x128xf32, #tpu.memory_space<vmem>> -> memref<32x128xf32, #tpu.memory_space<vmem>>
    %dma_start3A_33 = arith.constant 0 : i32
    %dma_start3A_34 = tpu.memref_slice %arg2[%dma_start3A_33, %multiple_of3A_27] : memref<32x1000000xf32, #tpu.memory_space<hbm>> -> memref<32x128xf32, #tpu.memory_space<hbm>>
    %dma_start3A_35 = arith.constant 0 : i32
    %dma_start3A_36 = arith.constant 0 : i32
    %dma_start3A_37 = tpu.memref_slice %arg6[%dma_start3A_28, %dma_start3A_35, %dma_start3A_36] : memref<8x32x128xf32, #tpu.memory_space<vmem>> -> memref<1x32x128xf32, #tpu.memory_space<vmem>>
    %dma_start3A_38 = tpu.memref_squeeze %dma_start3A_37 : memref<1x32x128xf32, #tpu.memory_space<vmem>> -> memref<32x128xf32, #tpu.memory_space<vmem>>
    %dma_start3A_39 = arith.constant 0 : i32
    %dma_start3A_40 = tpu.memref_slice %arg2[%dma_start3A_39, %multiple_of3A_27] : memref<32x1000000xf32, #tpu.memory_space<hbm>> -> memref<32x128xf32, #tpu.memory_space<hbm>>
    tpu.enqueue_dma source(%dma_start3A_40 : memref<32x128xf32, #tpu.memory_space<hbm>>) target(%dma_start3A_38 : memref<32x128xf32, #tpu.memory_space<vmem>>) target_semaphore(%arg9 : memref<!tpu.dma_semaphore, #tpu.memory_space<semaphore_mem>>)
    %slice3A_41 = vector.extract_strided_slice %get3A_5 {offsets = [2], sizes = [1], strides = [1]} : vector<16xi32> to vector<1xi32>
    %squeeze3A_42 = vector.extract %slice3A_41[0] : i32 from vector<1xi32>
    %shift_right_arithmetic3A_43 = arith.constant 7 : i32
    %shift_right_arithmetic3A_44 = arith.shrsi %squeeze3A_42, %shift_right_arithmetic3A_43 : i32
    %shift_left3A_45 = arith.constant 7 : i32
    %shift_left3A_46 = arith.shli %shift_right_arithmetic3A_44, %shift_left3A_45 : i32
    %multiple_of3A_47 = tpu.assume_multiple %shift_left3A_46, 128 : i32
    %dma_start3A_48 = arith.constant 2 : i32
    %dma_start3A_49 = arith.constant 0 : i32
    %dma_start3A_50 = arith.constant 0 : i32
    %dma_start3A_51 = tpu.memref_slice %arg6[%dma_start3A_48, %dma_start3A_49, %dma_start3A_50] : memref<8x32x128xf32, #tpu.memory_space<vmem>> -> memref<1x32x128xf32, #tpu.memory_space<vmem>>
    %dma_start3A_52 = tpu.memref_squeeze %dma_start3A_51 : memref<1x32x128xf32, #tpu.memory_space<vmem>> -> memref<32x128xf32, #tpu.memory_space<vmem>>
    %dma_start3A_53 = arith.constant 0 : i32
    %dma_start3A_54 = tpu.memref_slice %arg2[%dma_start3A_53, %multiple_of3A_47] : memref<32x1000000xf32, #tpu.memory_space<hbm>> -> memref<32x128xf32, #tpu.memory_space<hbm>>
    %dma_start3A_55 = arith.constant 0 : i32
    %dma_start3A_56 = arith.constant 0 : i32
    %dma_start3A_57 = tpu.memref_slice %arg6[%dma_start3A_48, %dma_start3A_55, %dma_start3A_56] : memref<8x32x128xf32, #tpu.memory_space<vmem>> -> memref<1x32x128xf32, #tpu.memory_space<vmem>>
    %dma_start3A_58 = tpu.memref_squeeze %dma_start3A_57 : memref<1x32x128xf32, #tpu.memory_space<vmem>> -> memref<32x128xf32, #tpu.memory_space<vmem>>
    %dma_start3A_59 = arith.constant 0 : i32
    %dma_start3A_60 = tpu.memref_slice %arg2[%dma_start3A_59, %multiple_of3A_47] : memref<32x1000000xf32, #tpu.memory_space<hbm>> -> memref<32x128xf32, #tpu.memory_space<hbm>>
    tpu.enqueue_dma source(%dma_start3A_60 : memref<32x128xf32, #tpu.memory_space<hbm>>) target(%dma_start3A_58 : memref<32x128xf32, #tpu.memory_space<vmem>>) target_semaphore(%arg9 : memref<!tpu.dma_semaphore, #tpu.memory_space<semaphore_mem>>)
    %slice3A_61 = vector.extract_strided_slice %get3A_5 {offsets = [3], sizes = [1], strides = [1]} : vector<16xi32> to vector<1xi32>
    %squeeze3A_62 = vector.extract %slice3A_61[0] : i32 from vector<1xi32>
    %shift_right_arithmetic3A_63 = arith.constant 7 : i32
    %shift_right_arithmetic3A_64 = arith.shrsi %squeeze3A_62, %shift_right_arithmetic3A_63 : i32
    %shift_left3A_65 = arith.constant 7 : i32
    %shift_left3A_66 = arith.shli %shift_right_arithmetic3A_64, %shift_left3A_65 : i32
    %multiple_of3A_67 = tpu.assume_multiple %shift_left3A_66, 128 : i32
    %dma_start3A_68 = arith.constant 3 : i32
    %dma_start3A_69 = arith.constant 0 : i32
    %dma_start3A_70 = arith.constant 0 : i32
    %dma_start3A_71 = tpu.memref_slice %arg6[%dma_start3A_68, %dma_start3A_69, %dma_start3A_70] : memref<8x32x128xf32, #tpu.memory_space<vmem>> -> memref<1x32x128xf32, #tpu.memory_space<vmem>>
    %dma_start3A_72 = tpu.memref_squeeze %dma_start3A_71 : memref<1x32x128xf32, #tpu.memory_space<vmem>> -> memref<32x128xf32, #tpu.memory_space<vmem>>
    %dma_start3A_73 = arith.constant 0 : i32
    %dma_start3A_74 = tpu.memref_slice %arg2[%dma_start3A_73, %multiple_of3A_67] : memref<32x1000000xf32, #tpu.memory_space<hbm>> -> memref<32x128xf32, #tpu.memory_space<hbm>>
    %dma_start3A_75 = arith.constant 0 : i32
    %dma_start3A_76 = arith.constant 0 : i32
    %dma_start3A_77 = tpu.memref_slice %arg6[%dma_start3A_68, %dma_start3A_75, %dma_start3A_76] : memref<8x32x128xf32, #tpu.memory_space<vmem>> -> memref<1x32x128xf32, #tpu.memory_space<vmem>>
    %dma_start3A_78 = tpu.memref_squeeze %dma_start3A_77 : memref<1x32x128xf32, #tpu.memory_space<vmem>> -> memref<32x128xf32, #tpu.memory_space<vmem>>
    %dma_start3A_79 = arith.constant 0 : i32
    %dma_start3A_80 = tpu.memref_slice %arg2[%dma_start3A_79, %multiple_of3A_67] : memref<32x1000000xf32, #tpu.memory_space<hbm>> -> memref<32x128xf32, #tpu.memory_space<hbm>>
    tpu.enqueue_dma source(%dma_start3A_80 : memref<32x128xf32, #tpu.memory_space<hbm>>) target(%dma_start3A_78 : memref<32x128xf32, #tpu.memory_space<vmem>>) target_semaphore(%arg9 : memref<!tpu.dma_semaphore, #tpu.memory_space<semaphore_mem>>)
    %slice3A_81 = vector.extract_strided_slice %get3A_5 {offsets = [4], sizes = [1], strides = [1]} : vector<16xi32> to vector<1xi32>
    %squeeze3A_82 = vector.extract %slice3A_81[0] : i32 from vector<1xi32>
    %shift_right_arithmetic3A_83 = arith.constant 7 : i32
    %shift_right_arithmetic3A_84 = arith.shrsi %squeeze3A_82, %shift_right_arithmetic3A_83 : i32
    %shift_left3A_85 = arith.constant 7 : i32
    %shift_left3A_86 = arith.shli %shift_right_arithmetic3A_84, %shift_left3A_85 : i32
    %multiple_of3A_87 = tpu.assume_multiple %shift_left3A_86, 128 : i32
    %dma_start3A_88 = arith.constant 4 : i32
    %dma_start3A_89 = arith.constant 0 : i32
    %dma_start3A_90 = arith.constant 0 : i32
    %dma_start3A_91 = tpu.memref_slice %arg6[%dma_start3A_88, %dma_start3A_89, %dma_start3A_90] : memref<8x32x128xf32, #tpu.memory_space<vmem>> -> memref<1x32x128xf32, #tpu.memory_space<vmem>>
    %dma_start3A_92 = tpu.memref_squeeze %dma_start3A_91 : memref<1x32x128xf32, #tpu.memory_space<vmem>> -> memref<32x128xf32, #tpu.memory_space<vmem>>
    %dma_start3A_93 = arith.constant 0 : i32
    %dma_start3A_94 = tpu.memref_slice %arg2[%dma_start3A_93, %multiple_of3A_87] : memref<32x1000000xf32, #tpu.memory_space<hbm>> -> memref<32x128xf32, #tpu.memory_space<hbm>>
    %dma_start3A_95 = arith.constant 0 : i32
    %dma_start3A_96 = arith.constant 0 : i32
    %dma_start3A_97 = tpu.memref_slice %arg6[%dma_start3A_88, %dma_start3A_95, %dma_start3A_96] : memref<8x32x128xf32, #tpu.memory_space<vmem>> -> memref<1x32x128xf32, #tpu.memory_space<vmem>>
    %dma_start3A_98 = tpu.memref_squeeze %dma_start3A_97 : memref<1x32x128xf32, #tpu.memory_space<vmem>> -> memref<32x128xf32, #tpu.memory_space<vmem>>
    %dma_start3A_99 = arith.constant 0 : i32
    %dma_start3A_100 = tpu.memref_slice %arg2[%dma_start3A_99, %multiple_of3A_87] : memref<32x1000000xf32, #tpu.memory_space<hbm>> -> memref<32x128xf32, #tpu.memory_space<hbm>>
    tpu.enqueue_dma source(%dma_start3A_100 : memref<32x128xf32, #tpu.memory_space<hbm>>) target(%dma_start3A_98 : memref<32x128xf32, #tpu.memory_space<vmem>>) target_semaphore(%arg9 : memref<!tpu.dma_semaphore, #tpu.memory_space<semaphore_mem>>)
    %slice3A_101 = vector.extract_strided_slice %get3A_5 {offsets = [5], sizes = [1], strides = [1]} : vector<16xi32> to vector<1xi32>
    %squeeze3A_102 = vector.extract %slice3A_101[0] : i32 from vector<1xi32>
    %shift_right_arithmetic3A_103 = arith.constant 7 : i32
    %shift_right_arithmetic3A_104 = arith.shrsi %squeeze3A_102, %shift_right_arithmetic3A_103 : i32
    %shift_left3A_105 = arith.constant 7 : i32
    %shift_left3A_106 = arith.shli %shift_right_arithmetic3A_104, %shift_left3A_105 : i32
    %multiple_of3A_107 = tpu.assume_multiple %shift_left3A_106, 128 : i32
    %dma_start3A_108 = arith.constant 5 : i32
    %dma_start3A_109 = arith.constant 0 : i32
    %dma_start3A_110 = arith.constant 0 : i32
    %dma_start3A_111 = tpu.memref_slice %arg6[%dma_start3A_108, %dma_start3A_109, %dma_start3A_110] : memref<8x32x128xf32, #tpu.memory_space<vmem>> -> memref<1x32x128xf32, #tpu.memory_space<vmem>>
    %dma_start3A_112 = tpu.memref_squeeze %dma_start3A_111 : memref<1x32x128xf32, #tpu.memory_space<vmem>> -> memref<32x128xf32, #tpu.memory_space<vmem>>
    %dma_start3A_113 = arith.constant 0 : i32
    %dma_start3A_114 = tpu.memref_slice %arg2[%dma_start3A_113, %multiple_of3A_107] : memref<32x1000000xf32, #tpu.memory_space<hbm>> -> memref<32x128xf32, #tpu.memory_space<hbm>>
    %dma_start3A_115 = arith.constant 0 : i32
    %dma_start3A_116 = arith.constant 0 : i32
    %dma_start3A_117 = tpu.memref_slice %arg6[%dma_start3A_108, %dma_start3A_115, %dma_start3A_116] : memref<8x32x128xf32, #tpu.memory_space<vmem>> -> memref<1x32x128xf32, #tpu.memory_space<vmem>>
    %dma_start3A_118 = tpu.memref_squeeze %dma_start3A_117 : memref<1x32x128xf32, #tpu.memory_space<vmem>> -> memref<32x128xf32, #tpu.memory_space<vmem>>
    %dma_start3A_119 = arith.constant 0 : i32
    %dma_start3A_120 = tpu.memref_slice %arg2[%dma_start3A_119, %multiple_of3A_107] : memref<32x1000000xf32, #tpu.memory_space<hbm>> -> memref<32x128xf32, #tpu.memory_space<hbm>>
    tpu.enqueue_dma source(%dma_start3A_120 : memref<32x128xf32, #tpu.memory_space<hbm>>) target(%dma_start3A_118 : memref<32x128xf32, #tpu.memory_space<vmem>>) target_semaphore(%arg9 : memref<!tpu.dma_semaphore, #tpu.memory_space<semaphore_mem>>)
    %slice3A_121 = vector.extract_strided_slice %get3A_5 {offsets = [6], sizes = [1], strides = [1]} : vector<16xi32> to vector<1xi32>
    %squeeze3A_122 = vector.extract %slice3A_121[0] : i32 from vector<1xi32>
    %shift_right_arithmetic3A_123 = arith.constant 7 : i32
    %shift_right_arithmetic3A_124 = arith.shrsi %squeeze3A_122, %shift_right_arithmetic3A_123 : i32
    %shift_left3A_125 = arith.constant 7 : i32
    %shift_left3A_126 = arith.shli %shift_right_arithmetic3A_124, %shift_left3A_125 : i32
    %multiple_of3A_127 = tpu.assume_multiple %shift_left3A_126, 128 : i32
    %dma_start3A_128 = arith.constant 6 : i32
    %dma_start3A_129 = arith.constant 0 : i32
    %dma_start3A_130 = arith.constant 0 : i32
    %dma_start3A_131 = tpu.memref_slice %arg6[%dma_start3A_128, %dma_start3A_129, %dma_start3A_130] : memref<8x32x128xf32, #tpu.memory_space<vmem>> -> memref<1x32x128xf32, #tpu.memory_space<vmem>>
    %dma_start3A_132 = tpu.memref_squeeze %dma_start3A_131 : memref<1x32x128xf32, #tpu.memory_space<vmem>> -> memref<32x128xf32, #tpu.memory_space<vmem>>
    %dma_start3A_133 = arith.constant 0 : i32
    %dma_start3A_134 = tpu.memref_slice %arg2[%dma_start3A_133, %multiple_of3A_127] : memref<32x1000000xf32, #tpu.memory_space<hbm>> -> memref<32x128xf32, #tpu.memory_space<hbm>>
    %dma_start3A_135 = arith.constant 0 : i32
    %dma_start3A_136 = arith.constant 0 : i32
    %dma_start3A_137 = tpu.memref_slice %arg6[%dma_start3A_128, %dma_start3A_135, %dma_start3A_136] : memref<8x32x128xf32, #tpu.memory_space<vmem>> -> memref<1x32x128xf32, #tpu.memory_space<vmem>>
    %dma_start3A_138 = tpu.memref_squeeze %dma_start3A_137 : memref<1x32x128xf32, #tpu.memory_space<vmem>> -> memref<32x128xf32, #tpu.memory_space<vmem>>
    %dma_start3A_139 = arith.constant 0 : i32
    %dma_start3A_140 = tpu.memref_slice %arg2[%dma_start3A_139, %multiple_of3A_127] : memref<32x1000000xf32, #tpu.memory_space<hbm>> -> memref<32x128xf32, #tpu.memory_space<hbm>>
    tpu.enqueue_dma source(%dma_start3A_140 : memref<32x128xf32, #tpu.memory_space<hbm>>) target(%dma_start3A_138 : memref<32x128xf32, #tpu.memory_space<vmem>>) target_semaphore(%arg9 : memref<!tpu.dma_semaphore, #tpu.memory_space<semaphore_mem>>)
    %slice3A_141 = vector.extract_strided_slice %get3A_5 {offsets = [7], sizes = [1], strides = [1]} : vector<16xi32> to vector<1xi32>
    %squeeze3A_142 = vector.extract %slice3A_141[0] : i32 from vector<1xi32>
    %shift_right_arithmetic3A_143 = arith.constant 7 : i32
    %shift_right_arithmetic3A_144 = arith.shrsi %squeeze3A_142, %shift_right_arithmetic3A_143 : i32
    %shift_left3A_145 = arith.constant 7 : i32
    %shift_left3A_146 = arith.shli %shift_right_arithmetic3A_144, %shift_left3A_145 : i32
    %multiple_of3A_147 = tpu.assume_multiple %shift_left3A_146, 128 : i32
    %dma_start3A_148 = arith.constant 7 : i32
    %dma_start3A_149 = arith.constant 0 : i32
    %dma_start3A_150 = arith.constant 0 : i32
    %dma_start3A_151 = tpu.memref_slice %arg6[%dma_start3A_148, %dma_start3A_149, %dma_start3A_150] : memref<8x32x128xf32, #tpu.memory_space<vmem>> -> memref<1x32x128xf32, #tpu.memory_space<vmem>>
    %dma_start3A_152 = tpu.memref_squeeze %dma_start3A_151 : memref<1x32x128xf32, #tpu.memory_space<vmem>> -> memref<32x128xf32, #tpu.memory_space<vmem>>
    %dma_start3A_153 = arith.constant 0 : i32
    %dma_start3A_154 = tpu.memref_slice %arg2[%dma_start3A_153, %multiple_of3A_147] : memref<32x1000000xf32, #tpu.memory_space<hbm>> -> memref<32x128xf32, #tpu.memory_space<hbm>>
    %dma_start3A_155 = arith.constant 0 : i32
    %dma_start3A_156 = arith.constant 0 : i32
    %dma_start3A_157 = tpu.memref_slice %arg6[%dma_start3A_148, %dma_start3A_155, %dma_start3A_156] : memref<8x32x128xf32, #tpu.memory_space<vmem>> -> memref<1x32x128xf32, #tpu.memory_space<vmem>>
    %dma_start3A_158 = tpu.memref_squeeze %dma_start3A_157 : memref<1x32x128xf32, #tpu.memory_space<vmem>> -> memref<32x128xf32, #tpu.memory_space<vmem>>
    %dma_start3A_159 = arith.constant 0 : i32
    %dma_start3A_160 = tpu.memref_slice %arg2[%dma_start3A_159, %multiple_of3A_147] : memref<32x1000000xf32, #tpu.memory_space<hbm>> -> memref<32x128xf32, #tpu.memory_space<hbm>>
    tpu.enqueue_dma source(%dma_start3A_160 : memref<32x128xf32, #tpu.memory_space<hbm>>) target(%dma_start3A_158 : memref<32x128xf32, #tpu.memory_space<vmem>>) target_semaphore(%arg9 : memref<!tpu.dma_semaphore, #tpu.memory_space<semaphore_mem>>)
    %scan3A = arith.constant 0 : i32
    %scan3A_161 = arith.constant 32 : i32
    %scan3A_162 = arith.addi %scan3A, %scan3A_161 : i32
    %scan3A_163 = arith.constant 1 : i32
    scf.for %scan3A_173 = %scan3A to %scan3A_162 step %scan3A_163  : i32 {
      %mul3A_174 = arith.constant 1 : i32
      %mul3A_175 = arith.muli %scan3A_173, %mul3A_174 : i32
      %add3A_176 = arith.constant 0 : i32
      %add3A_177 = arith.addi %add3A_176, %mul3A_175 : i32
      %mul3A_178 = arith.constant 2 : i32
      %mul3A_179 = arith.muli %add3A_177, %mul3A_178 : i32
      %mul3A_180 = arith.constant 8 : i32
      %mul3A_181 = arith.muli %mul3A_179, %mul3A_180 : i32
      %get3A_182 = arith.index_cast %mul3A_181 : i32 to index
      %get3A_183 = tpu.vector_load %arg5[%get3A_182] {strides = array<i32>} : memref<512xi32, #tpu.memory_space<vmem>>, vector<16xi32>,
      %slice3A_184 = vector.extract_strided_slice %get3A_183 {offsets = [8], sizes = [1], strides = [1]} : vector<16xi32> to vector<1xi32>
      %squeeze3A_185 = vector.extract %slice3A_184[0] : i32 from vector<1xi32>
      %shift_right_arithmetic3A_186 = arith.constant 7 : i32
      %shift_right_arithmetic3A_187 = arith.shrsi %squeeze3A_185, %shift_right_arithmetic3A_186 : i32
      %shift_left3A_188 = arith.constant 7 : i32
      %shift_left3A_189 = arith.shli %shift_right_arithmetic3A_187, %shift_left3A_188 : i32
      %multiple_of3A_190 = tpu.assume_multiple %shift_left3A_189, 128 : i32
      %dma_start3A_191 = arith.constant 0 : i32
      %dma_start3A_192 = arith.constant 0 : i32
      %dma_start3A_193 = arith.constant 0 : i32
      %dma_start3A_194 = tpu.memref_slice %arg7[%dma_start3A_191, %dma_start3A_192, %dma_start3A_193] : memref<8x32x128xf32, #tpu.memory_space<vmem>> -> memref<1x32x128xf32, #tpu.memory_space<vmem>>
      %dma_start3A_195 = tpu.memref_squeeze %dma_start3A_194 : memref<1x32x128xf32, #tpu.memory_space<vmem>> -> memref<32x128xf32, #tpu.memory_space<vmem>>
      %dma_start3A_196 = arith.constant 0 : i32
      %dma_start3A_197 = tpu.memref_slice %arg2[%dma_start3A_196, %multiple_of3A_190] : memref<32x1000000xf32, #tpu.memory_space<hbm>> -> memref<32x128xf32, #tpu.memory_space<hbm>>
      %dma_start3A_198 = arith.constant 0 : i32
      %dma_start3A_199 = arith.constant 0 : i32
      %dma_start3A_200 = tpu.memref_slice %arg7[%dma_start3A_191, %dma_start3A_198, %dma_start3A_199] : memref<8x32x128xf32, #tpu.memory_space<vmem>> -> memref<1x32x128xf32, #tpu.memory_space<vmem>>
      %dma_start3A_201 = tpu.memref_squeeze %dma_start3A_200 : memref<1x32x128xf32, #tpu.memory_space<vmem>> -> memref<32x128xf32, #tpu.memory_space<vmem>>
      %dma_start3A_202 = arith.constant 0 : i32
      %dma_start3A_203 = tpu.memref_slice %arg2[%dma_start3A_202, %multiple_of3A_190] : memref<32x1000000xf32, #tpu.memory_space<hbm>> -> memref<32x128xf32, #tpu.memory_space<hbm>>
      tpu.enqueue_dma source(%dma_start3A_203 : memref<32x128xf32, #tpu.memory_space<hbm>>) target(%dma_start3A_201 : memref<32x128xf32, #tpu.memory_space<vmem>>) target_semaphore(%arg10 : memref<!tpu.dma_semaphore, #tpu.memory_space<semaphore_mem>>)
      %slice3A_204 = vector.extract_strided_slice %get3A_183 {offsets = [9], sizes = [1], strides = [1]} : vector<16xi32> to vector<1xi32>
      %squeeze3A_205 = vector.extract %slice3A_204[0] : i32 from vector<1xi32>
      %shift_right_arithmetic3A_206 = arith.constant 7 : i32
      %shift_right_arithmetic3A_207 = arith.shrsi %squeeze3A_205, %shift_right_arithmetic3A_206 : i32
      %shift_left3A_208 = arith.constant 7 : i32
      %shift_left3A_209 = arith.shli %shift_right_arithmetic3A_207, %shift_left3A_208 : i32
      %multiple_of3A_210 = tpu.assume_multiple %shift_left3A_209, 128 : i32
      %dma_start3A_211 = arith.constant 1 : i32
      %dma_start3A_212 = arith.constant 0 : i32
      %dma_start3A_213 = arith.constant 0 : i32
      %dma_start3A_214 = tpu.memref_slice %arg7[%dma_start3A_211, %dma_start3A_212, %dma_start3A_213] : memref<8x32x128xf32, #tpu.memory_space<vmem>> -> memref<1x32x128xf32, #tpu.memory_space<vmem>>
      %dma_start3A_215 = tpu.memref_squeeze %dma_start3A_214 : memref<1x32x128xf32, #tpu.memory_space<vmem>> -> memref<32x128xf32, #tpu.memory_space<vmem>>
      %dma_start3A_216 = arith.constant 0 : i32
      %dma_start3A_217 = tpu.memref_slice %arg2[%dma_start3A_216, %multiple_of3A_210] : memref<32x1000000xf32, #tpu.memory_space<hbm>> -> memref<32x128xf32, #tpu.memory_space<hbm>>
      %dma_start3A_218 = arith.constant 0 : i32
      %dma_start3A_219 = arith.constant 0 : i32
      %dma_start3A_220 = tpu.memref_slice %arg7[%dma_start3A_211, %dma_start3A_218, %dma_start3A_219] : memref<8x32x128xf32, #tpu.memory_space<vmem>> -> memref<1x32x128xf32, #tpu.memory_space<vmem>>
      %dma_start3A_221 = tpu.memref_squeeze %dma_start3A_220 : memref<1x32x128xf32, #tpu.memory_space<vmem>> -> memref<32x128xf32, #tpu.memory_space<vmem>>
      %dma_start3A_222 = arith.constant 0 : i32
      %dma_start3A_223 = tpu.memref_slice %arg2[%dma_start3A_222, %multiple_of3A_210] : memref<32x1000000xf32, #tpu.memory_space<hbm>> -> memref<32x128xf32, #tpu.memory_space<hbm>>
      tpu.enqueue_dma source(%dma_start3A_223 : memref<32x128xf32, #tpu.memory_space<hbm>>) target(%dma_start3A_221 : memref<32x128xf32, #tpu.memory_space<vmem>>) target_semaphore(%arg10 : memref<!tpu.dma_semaphore, #tpu.memory_space<semaphore_mem>>)
      %slice3A_224 = vector.extract_strided_slice %get3A_183 {offsets = [10], sizes = [1], strides = [1]} : vector<16xi32> to vector<1xi32>
      %squeeze3A_225 = vector.extract %slice3A_224[0] : i32 from vector<1xi32>
      %shift_right_arithmetic3A_226 = arith.constant 7 : i32
      %shift_right_arithmetic3A_227 = arith.shrsi %squeeze3A_225, %shift_right_arithmetic3A_226 : i32
      %shift_left3A_228 = arith.constant 7 : i32
      %shift_left3A_229 = arith.shli %shift_right_arithmetic3A_227, %shift_left3A_228 : i32
      %multiple_of3A_230 = tpu.assume_multiple %shift_left3A_229, 128 : i32
      %dma_start3A_231 = arith.constant 2 : i32
      %dma_start3A_232 = arith.constant 0 : i32
      %dma_start3A_233 = arith.constant 0 : i32
      %dma_start3A_234 = tpu.memref_slice %arg7[%dma_start3A_231, %dma_start3A_232, %dma_start3A_233] : memref<8x32x128xf32, #tpu.memory_space<vmem>> -> memref<1x32x128xf32, #tpu.memory_space<vmem>>
      %dma_start3A_235 = tpu.memref_squeeze %dma_start3A_234 : memref<1x32x128xf32, #tpu.memory_space<vmem>> -> memref<32x128xf32, #tpu.memory_space<vmem>>
      %dma_start3A_236 = arith.constant 0 : i32
      %dma_start3A_237 = tpu.memref_slice %arg2[%dma_start3A_236, %multiple_of3A_230] : memref<32x1000000xf32, #tpu.memory_space<hbm>> -> memref<32x128xf32, #tpu.memory_space<hbm>>
      %dma_start3A_238 = arith.constant 0 : i32
      %dma_start3A_239 = arith.constant 0 : i32
      %dma_start3A_240 = tpu.memref_slice %arg7[%dma_start3A_231, %dma_start3A_238, %dma_start3A_239] : memref<8x32x128xf32, #tpu.memory_space<vmem>> -> memref<1x32x128xf32, #tpu.memory_space<vmem>>
      %dma_start3A_241 = tpu.memref_squeeze %dma_start3A_240 : memref<1x32x128xf32, #tpu.memory_space<vmem>> -> memref<32x128xf32, #tpu.memory_space<vmem>>
      %dma_start3A_242 = arith.constant 0 : i32
      %dma_start3A_243 = tpu.memref_slice %arg2[%dma_start3A_242, %multiple_of3A_230] : memref<32x1000000xf32, #tpu.memory_space<hbm>> -> memref<32x128xf32, #tpu.memory_space<hbm>>
      tpu.enqueue_dma source(%dma_start3A_243 : memref<32x128xf32, #tpu.memory_space<hbm>>) target(%dma_start3A_241 : memref<32x128xf32, #tpu.memory_space<vmem>>) target_semaphore(%arg10 : memref<!tpu.dma_semaphore, #tpu.memory_space<semaphore_mem>>)
      %slice3A_244 = vector.extract_strided_slice %get3A_183 {offsets = [11], sizes = [1], strides = [1]} : vector<16xi32> to vector<1xi32>
      %squeeze3A_245 = vector.extract %slice3A_244[0] : i32 from vector<1xi32>
      %shift_right_arithmetic3A_246 = arith.constant 7 : i32
      %shift_right_arithmetic3A_247 = arith.shrsi %squeeze3A_245, %shift_right_arithmetic3A_246 : i32
      %shift_left3A_248 = arith.constant 7 : i32
      %shift_left3A_249 = arith.shli %shift_right_arithmetic3A_247, %shift_left3A_248 : i32
      %multiple_of3A_250 = tpu.assume_multiple %shift_left3A_249, 128 : i32
      %dma_start3A_251 = arith.constant 3 : i32
      %dma_start3A_252 = arith.constant 0 : i32
      %dma_start3A_253 = arith.constant 0 : i32
      %dma_start3A_254 = tpu.memref_slice %arg7[%dma_start3A_251, %dma_start3A_252, %dma_start3A_253] : memref<8x32x128xf32, #tpu.memory_space<vmem>> -> memref<1x32x128xf32, #tpu.memory_space<vmem>>
      %dma_start3A_255 = tpu.memref_squeeze %dma_start3A_254 : memref<1x32x128xf32, #tpu.memory_space<vmem>> -> memref<32x128xf32, #tpu.memory_space<vmem>>
      %dma_start3A_256 = arith.constant 0 : i32
      %dma_start3A_257 = tpu.memref_slice %arg2[%dma_start3A_256, %multiple_of3A_250] : memref<32x1000000xf32, #tpu.memory_space<hbm>> -> memref<32x128xf32, #tpu.memory_space<hbm>>
      %dma_start3A_258 = arith.constant 0 : i32
      %dma_start3A_259 = arith.constant 0 : i32
      %dma_start3A_260 = tpu.memref_slice %arg7[%dma_start3A_251, %dma_start3A_258, %dma_start3A_259] : memref<8x32x128xf32, #tpu.memory_space<vmem>> -> memref<1x32x128xf32, #tpu.memory_space<vmem>>
      %dma_start3A_261 = tpu.memref_squeeze %dma_start3A_260 : memref<1x32x128xf32, #tpu.memory_space<vmem>> -> memref<32x128xf32, #tpu.memory_space<vmem>>
      %dma_start3A_262 = arith.constant 0 : i32
      %dma_start3A_263 = tpu.memref_slice %arg2[%dma_start3A_262, %multiple_of3A_250] : memref<32x1000000xf32, #tpu.memory_space<hbm>> -> memref<32x128xf32, #tpu.memory_space<hbm>>
      tpu.enqueue_dma source(%dma_start3A_263 : memref<32x128xf32, #tpu.memory_space<hbm>>) target(%dma_start3A_261 : memref<32x128xf32, #tpu.memory_space<vmem>>) target_semaphore(%arg10 : memref<!tpu.dma_semaphore, #tpu.memory_space<semaphore_mem>>)
      %slice3A_264 = vector.extract_strided_slice %get3A_183 {offsets = [12], sizes = [1], strides = [1]} : vector<16xi32> to vector<1xi32>
      %squeeze3A_265 = vector.extract %slice3A_264[0] : i32 from vector<1xi32>
      %shift_right_arithmetic3A_266 = arith.constant 7 : i32
      %shift_right_arithmetic3A_267 = arith.shrsi %squeeze3A_265, %shift_right_arithmetic3A_266 : i32
      %shift_left3A_268 = arith.constant 7 : i32
      %shift_left3A_269 = arith.shli %shift_right_arithmetic3A_267, %shift_left3A_268 : i32
      %multiple_of3A_270 = tpu.assume_multiple %shift_left3A_269, 128 : i32
      %dma_start3A_271 = arith.constant 4 : i32
      %dma_start3A_272 = arith.constant 0 : i32
      %dma_start3A_273 = arith.constant 0 : i32
      %dma_start3A_274 = tpu.memref_slice %arg7[%dma_start3A_271, %dma_start3A_272, %dma_start3A_273] : memref<8x32x128xf32, #tpu.memory_space<vmem>> -> memref<1x32x128xf32, #tpu.memory_space<vmem>>
      %dma_start3A_275 = tpu.memref_squeeze %dma_start3A_274 : memref<1x32x128xf32, #tpu.memory_space<vmem>> -> memref<32x128xf32, #tpu.memory_space<vmem>>
      %dma_start3A_276 = arith.constant 0 : i32
      %dma_start3A_277 = tpu.memref_slice %arg2[%dma_start3A_276, %multiple_of3A_270] : memref<32x1000000xf32, #tpu.memory_space<hbm>> -> memref<32x128xf32, #tpu.memory_space<hbm>>
      %dma_start3A_278 = arith.constant 0 : i32
      %dma_start3A_279 = arith.constant 0 : i32
      %dma_start3A_280 = tpu.memref_slice %arg7[%dma_start3A_271, %dma_start3A_278, %dma_start3A_279] : memref<8x32x128xf32, #tpu.memory_space<vmem>> -> memref<1x32x128xf32, #tpu.memory_space<vmem>>
      %dma_start3A_281 = tpu.memref_squeeze %dma_start3A_280 : memref<1x32x128xf32, #tpu.memory_space<vmem>> -> memref<32x128xf32, #tpu.memory_space<vmem>>
      %dma_start3A_282 = arith.constant 0 : i32
      %dma_start3A_283 = tpu.memref_slice %arg2[%dma_start3A_282, %multiple_of3A_270] : memref<32x1000000xf32, #tpu.memory_space<hbm>> -> memref<32x128xf32, #tpu.memory_space<hbm>>
      tpu.enqueue_dma source(%dma_start3A_283 : memref<32x128xf32, #tpu.memory_space<hbm>>) target(%dma_start3A_281 : memref<32x128xf32, #tpu.memory_space<vmem>>) target_semaphore(%arg10 : memref<!tpu.dma_semaphore, #tpu.memory_space<semaphore_mem>>)
      %slice3A_284 = vector.extract_strided_slice %get3A_183 {offsets = [13], sizes = [1], strides = [1]} : vector<16xi32> to vector<1xi32>
      %squeeze3A_285 = vector.extract %slice3A_284[0] : i32 from vector<1xi32>
      %shift_right_arithmetic3A_286 = arith.constant 7 : i32
      %shift_right_arithmetic3A_287 = arith.shrsi %squeeze3A_285, %shift_right_arithmetic3A_286 : i32
      %shift_left3A_288 = arith.constant 7 : i32
      %shift_left3A_289 = arith.shli %shift_right_arithmetic3A_287, %shift_left3A_288 : i32
      %multiple_of3A_290 = tpu.assume_multiple %shift_left3A_289, 128 : i32
      %dma_start3A_291 = arith.constant 5 : i32
      %dma_start3A_292 = arith.constant 0 : i32
      %dma_start3A_293 = arith.constant 0 : i32
      %dma_start3A_294 = tpu.memref_slice %arg7[%dma_start3A_291, %dma_start3A_292, %dma_start3A_293] : memref<8x32x128xf32, #tpu.memory_space<vmem>> -> memref<1x32x128xf32, #tpu.memory_space<vmem>>
      %dma_start3A_295 = tpu.memref_squeeze %dma_start3A_294 : memref<1x32x128xf32, #tpu.memory_space<vmem>> -> memref<32x128xf32, #tpu.memory_space<vmem>>
      %dma_start3A_296 = arith.constant 0 : i32
      %dma_start3A_297 = tpu.memref_slice %arg2[%dma_start3A_296, %multiple_of3A_290] : memref<32x1000000xf32, #tpu.memory_space<hbm>> -> memref<32x128xf32, #tpu.memory_space<hbm>>
      %dma_start3A_298 = arith.constant 0 : i32
      %dma_start3A_299 = arith.constant 0 : i32
      %dma_start3A_300 = tpu.memref_slice %arg7[%dma_start3A_291, %dma_start3A_298, %dma_start3A_299] : memref<8x32x128xf32, #tpu.memory_space<vmem>> -> memref<1x32x128xf32, #tpu.memory_space<vmem>>
      %dma_start3A_301 = tpu.memref_squeeze %dma_start3A_300 : memref<1x32x128xf32, #tpu.memory_space<vmem>> -> memref<32x128xf32, #tpu.memory_space<vmem>>
      %dma_start3A_302 = arith.constant 0 : i32
      %dma_start3A_303 = tpu.memref_slice %arg2[%dma_start3A_302, %multiple_of3A_290] : memref<32x1000000xf32, #tpu.memory_space<hbm>> -> memref<32x128xf32, #tpu.memory_space<hbm>>
      tpu.enqueue_dma source(%dma_start3A_303 : memref<32x128xf32, #tpu.memory_space<hbm>>) target(%dma_start3A_301 : memref<32x128xf32, #tpu.memory_space<vmem>>) target_semaphore(%arg10 : memref<!tpu.dma_semaphore, #tpu.memory_space<semaphore_mem>>)
      %slice3A_304 = vector.extract_strided_slice %get3A_183 {offsets = [14], sizes = [1], strides = [1]} : vector<16xi32> to vector<1xi32>
      %squeeze3A_305 = vector.extract %slice3A_304[0] : i32 from vector<1xi32>
      %shift_right_arithmetic3A_306 = arith.constant 7 : i32
      %shift_right_arithmetic3A_307 = arith.shrsi %squeeze3A_305, %shift_right_arithmetic3A_306 : i32
      %shift_left3A_308 = arith.constant 7 : i32
      %shift_left3A_309 = arith.shli %shift_right_arithmetic3A_307, %shift_left3A_308 : i32
      %multiple_of3A_310 = tpu.assume_multiple %shift_left3A_309, 128 : i32
      %dma_start3A_311 = arith.constant 6 : i32
      %dma_start3A_312 = arith.constant 0 : i32
      %dma_start3A_313 = arith.constant 0 : i32
      %dma_start3A_314 = tpu.memref_slice %arg7[%dma_start3A_311, %dma_start3A_312, %dma_start3A_313] : memref<8x32x128xf32, #tpu.memory_space<vmem>> -> memref<1x32x128xf32, #tpu.memory_space<vmem>>
      %dma_start3A_315 = tpu.memref_squeeze %dma_start3A_314 : memref<1x32x128xf32, #tpu.memory_space<vmem>> -> memref<32x128xf32, #tpu.memory_space<vmem>>
      %dma_start3A_316 = arith.constant 0 : i32
      %dma_start3A_317 = tpu.memref_slice %arg2[%dma_start3A_316, %multiple_of3A_310] : memref<32x1000000xf32, #tpu.memory_space<hbm>> -> memref<32x128xf32, #tpu.memory_space<hbm>>
      %dma_start3A_318 = arith.constant 0 : i32
      %dma_start3A_319 = arith.constant 0 : i32
      %dma_start3A_320 = tpu.memref_slice %arg7[%dma_start3A_311, %dma_start3A_318, %dma_start3A_319] : memref<8x32x128xf32, #tpu.memory_space<vmem>> -> memref<1x32x128xf32, #tpu.memory_space<vmem>>
      %dma_start3A_321 = tpu.memref_squeeze %dma_start3A_320 : memref<1x32x128xf32, #tpu.memory_space<vmem>> -> memref<32x128xf32, #tpu.memory_space<vmem>>
      %dma_start3A_322 = arith.constant 0 : i32
      %dma_start3A_323 = tpu.memref_slice %arg2[%dma_start3A_322, %multiple_of3A_310] : memref<32x1000000xf32, #tpu.memory_space<hbm>> -> memref<32x128xf32, #tpu.memory_space<hbm>>
      tpu.enqueue_dma source(%dma_start3A_323 : memref<32x128xf32, #tpu.memory_space<hbm>>) target(%dma_start3A_321 : memref<32x128xf32, #tpu.memory_space<vmem>>) target_semaphore(%arg10 : memref<!tpu.dma_semaphore, #tpu.memory_space<semaphore_mem>>)
      %slice3A_324 = vector.extract_strided_slice %get3A_183 {offsets = [15], sizes = [1], strides = [1]} : vector<16xi32> to vector<1xi32>
      %squeeze3A_325 = vector.extract %slice3A_324[0] : i32 from vector<1xi32>
      %shift_right_arithmetic3A_326 = arith.constant 7 : i32
      %shift_right_arithmetic3A_327 = arith.shrsi %squeeze3A_325, %shift_right_arithmetic3A_326 : i32
      %shift_left3A_328 = arith.constant 7 : i32
      %shift_left3A_329 = arith.shli %shift_right_arithmetic3A_327, %shift_left3A_328 : i32
      %multiple_of3A_330 = tpu.assume_multiple %shift_left3A_329, 128 : i32
      %dma_start3A_331 = arith.constant 7 : i32
      %dma_start3A_332 = arith.constant 0 : i32
      %dma_start3A_333 = arith.constant 0 : i32
      %dma_start3A_334 = tpu.memref_slice %arg7[%dma_start3A_331, %dma_start3A_332, %dma_start3A_333] : memref<8x32x128xf32, #tpu.memory_space<vmem>> -> memref<1x32x128xf32, #tpu.memory_space<vmem>>
      %dma_start3A_335 = tpu.memref_squeeze %dma_start3A_334 : memref<1x32x128xf32, #tpu.memory_space<vmem>> -> memref<32x128xf32, #tpu.memory_space<vmem>>
      %dma_start3A_336 = arith.constant 0 : i32
      %dma_start3A_337 = tpu.memref_slice %arg2[%dma_start3A_336, %multiple_of3A_330] : memref<32x1000000xf32, #tpu.memory_space<hbm>> -> memref<32x128xf32, #tpu.memory_space<hbm>>
      %dma_start3A_338 = arith.constant 0 : i32
      %dma_start3A_339 = arith.constant 0 : i32
      %dma_start3A_340 = tpu.memref_slice %arg7[%dma_start3A_331, %dma_start3A_338, %dma_start3A_339] : memref<8x32x128xf32, #tpu.memory_space<vmem>> -> memref<1x32x128xf32, #tpu.memory_space<vmem>>
      %dma_start3A_341 = tpu.memref_squeeze %dma_start3A_340 : memref<1x32x128xf32, #tpu.memory_space<vmem>> -> memref<32x128xf32, #tpu.memory_space<vmem>>
      %dma_start3A_342 = arith.constant 0 : i32
      %dma_start3A_343 = tpu.memref_slice %arg2[%dma_start3A_342, %multiple_of3A_330] : memref<32x1000000xf32, #tpu.memory_space<hbm>> -> memref<32x128xf32, #tpu.memory_space<hbm>>
      tpu.enqueue_dma source(%dma_start3A_343 : memref<32x128xf32, #tpu.memory_space<hbm>>) target(%dma_start3A_341 : memref<32x128xf32, #tpu.memory_space<vmem>>) target_semaphore(%arg10 : memref<!tpu.dma_semaphore, #tpu.memory_space<semaphore_mem>>)
      %dma_wait3A_344 = arith.constant 0 : i32
      %dma_wait3A_345 = arith.constant 0 : i32
      %dma_wait3A_346 = arith.constant 0 : i32
      %dma_wait3A_347 = tpu.memref_slice %arg6[%dma_wait3A_344, %dma_wait3A_345, %dma_wait3A_346] : memref<8x32x128xf32, #tpu.memory_space<vmem>> -> memref<1x32x128xf32, #tpu.memory_space<vmem>>
      %dma_wait3A_348 = tpu.memref_squeeze %dma_wait3A_347 : memref<1x32x128xf32, #tpu.memory_space<vmem>> -> memref<32x128xf32, #tpu.memory_space<vmem>>
      %dma_wait3A_349 = arith.constant 0 : i32
      %dma_wait3A_350 = arith.constant 0 : i32
      %dma_wait3A_351 = tpu.memref_slice %arg2[%dma_wait3A_349, %dma_wait3A_350] : memref<32x1000000xf32, #tpu.memory_space<hbm>> -> memref<32x128xf32, #tpu.memory_space<hbm>>
      %dma_wait3A_352 = arith.constant 0 : i32
      %dma_wait3A_353 = arith.constant 0 : i32
      %dma_wait3A_354 = tpu.memref_slice %arg6[%dma_wait3A_344, %dma_wait3A_352, %dma_wait3A_353] : memref<8x32x128xf32, #tpu.memory_space<vmem>> -> memref<1x32x128xf32, #tpu.memory_space<vmem>>
      %dma_wait3A_355 = tpu.memref_squeeze %dma_wait3A_354 : memref<1x32x128xf32, #tpu.memory_space<vmem>> -> memref<32x128xf32, #tpu.memory_space<vmem>>
      %dma_wait3A_356 = arith.constant 0 : i32
      %dma_wait3A_357 = arith.constant 0 : i32
      %dma_wait3A_358 = tpu.memref_slice %arg2[%dma_wait3A_356, %dma_wait3A_357] : memref<32x1000000xf32, #tpu.memory_space<hbm>> -> memref<32x128xf32, #tpu.memory_space<hbm>>
      tpu.wait_dma2 semaphore(%arg9 : memref<!tpu.dma_semaphore, #tpu.memory_space<semaphore_mem>>) src(%dma_wait3A_358 : memref<32x128xf32, #tpu.memory_space<hbm>>) dst(%dma_wait3A_355 : memref<32x128xf32, #tpu.memory_space<vmem>>)
      %dma_wait3A_359 = arith.constant 1 : i32
      %dma_wait3A_360 = arith.constant 0 : i32
      %dma_wait3A_361 = arith.constant 0 : i32
      %dma_wait3A_362 = tpu.memref_slice %arg6[%dma_wait3A_359, %dma_wait3A_360, %dma_wait3A_361] : memref<8x32x128xf32, #tpu.memory_space<vmem>> -> memref<1x32x128xf32, #tpu.memory_space<vmem>>
      %dma_wait3A_363 = tpu.memref_squeeze %dma_wait3A_362 : memref<1x32x128xf32, #tpu.memory_space<vmem>> -> memref<32x128xf32, #tpu.memory_space<vmem>>
      %dma_wait3A_364 = arith.constant 0 : i32
      %dma_wait3A_365 = arith.constant 0 : i32
      %dma_wait3A_366 = tpu.memref_slice %arg2[%dma_wait3A_364, %dma_wait3A_365] : memref<32x1000000xf32, #tpu.memory_space<hbm>> -> memref<32x128xf32, #tpu.memory_space<hbm>>
      %dma_wait3A_367 = arith.constant 0 : i32
      %dma_wait3A_368 = arith.constant 0 : i32
      %dma_wait3A_369 = tpu.memref_slice %arg6[%dma_wait3A_359, %dma_wait3A_367, %dma_wait3A_368] : memref<8x32x128xf32, #tpu.memory_space<vmem>> -> memref<1x32x128xf32, #tpu.memory_space<vmem>>
      %dma_wait3A_370 = tpu.memref_squeeze %dma_wait3A_369 : memref<1x32x128xf32, #tpu.memory_space<vmem>> -> memref<32x128xf32, #tpu.memory_space<vmem>>
      %dma_wait3A_371 = arith.constant 0 : i32
      %dma_wait3A_372 = arith.constant 0 : i32
      %dma_wait3A_373 = tpu.memref_slice %arg2[%dma_wait3A_371, %dma_wait3A_372] : memref<32x1000000xf32, #tpu.memory_space<hbm>> -> memref<32x128xf32, #tpu.memory_space<hbm>>
      tpu.wait_dma2 semaphore(%arg9 : memref<!tpu.dma_semaphore, #tpu.memory_space<semaphore_mem>>) src(%dma_wait3A_373 : memref<32x128xf32, #tpu.memory_space<hbm>>) dst(%dma_wait3A_370 : memref<32x128xf32, #tpu.memory_space<vmem>>)
      %dma_wait3A_374 = arith.constant 2 : i32
      %dma_wait3A_375 = arith.constant 0 : i32
      %dma_wait3A_376 = arith.constant 0 : i32
      %dma_wait3A_377 = tpu.memref_slice %arg6[%dma_wait3A_374, %dma_wait3A_375, %dma_wait3A_376] : memref<8x32x128xf32, #tpu.memory_space<vmem>> -> memref<1x32x128xf32, #tpu.memory_space<vmem>>
      %dma_wait3A_378 = tpu.memref_squeeze %dma_wait3A_377 : memref<1x32x128xf32, #tpu.memory_space<vmem>> -> memref<32x128xf32, #tpu.memory_space<vmem>>
      %dma_wait3A_379 = arith.constant 0 : i32
      %dma_wait3A_380 = arith.constant 0 : i32
      %dma_wait3A_381 = tpu.memref_slice %arg2[%dma_wait3A_379, %dma_wait3A_380] : memref<32x1000000xf32, #tpu.memory_space<hbm>> -> memref<32x128xf32, #tpu.memory_space<hbm>>
      %dma_wait3A_382 = arith.constant 0 : i32
      %dma_wait3A_383 = arith.constant 0 : i32
      %dma_wait3A_384 = tpu.memref_slice %arg6[%dma_wait3A_374, %dma_wait3A_382, %dma_wait3A_383] : memref<8x32x128xf32, #tpu.memory_space<vmem>> -> memref<1x32x128xf32, #tpu.memory_space<vmem>>
      %dma_wait3A_385 = tpu.memref_squeeze %dma_wait3A_384 : memref<1x32x128xf32, #tpu.memory_space<vmem>> -> memref<32x128xf32, #tpu.memory_space<vmem>>
      %dma_wait3A_386 = arith.constant 0 : i32
      %dma_wait3A_387 = arith.constant 0 : i32
      %dma_wait3A_388 = tpu.memref_slice %arg2[%dma_wait3A_386, %dma_wait3A_387] : memref<32x1000000xf32, #tpu.memory_space<hbm>> -> memref<32x128xf32, #tpu.memory_space<hbm>>
      tpu.wait_dma2 semaphore(%arg9 : memref<!tpu.dma_semaphore, #tpu.memory_space<semaphore_mem>>) src(%dma_wait3A_388 : memref<32x128xf32, #tpu.memory_space<hbm>>) dst(%dma_wait3A_385 : memref<32x128xf32, #tpu.memory_space<vmem>>)
      %dma_wait3A_389 = arith.constant 3 : i32
      %dma_wait3A_390 = arith.constant 0 : i32
      %dma_wait3A_391 = arith.constant 0 : i32
      %dma_wait3A_392 = tpu.memref_slice %arg6[%dma_wait3A_389, %dma_wait3A_390, %dma_wait3A_391] : memref<8x32x128xf32, #tpu.memory_space<vmem>> -> memref<1x32x128xf32, #tpu.memory_space<vmem>>
      %dma_wait3A_393 = tpu.memref_squeeze %dma_wait3A_392 : memref<1x32x128xf32, #tpu.memory_space<vmem>> -> memref<32x128xf32, #tpu.memory_space<vmem>>
      %dma_wait3A_394 = arith.constant 0 : i32
      %dma_wait3A_395 = arith.constant 0 : i32
      %dma_wait3A_396 = tpu.memref_slice %arg2[%dma_wait3A_394, %dma_wait3A_395] : memref<32x1000000xf32, #tpu.memory_space<hbm>> -> memref<32x128xf32, #tpu.memory_space<hbm>>
      %dma_wait3A_397 = arith.constant 0 : i32
      %dma_wait3A_398 = arith.constant 0 : i32
      %dma_wait3A_399 = tpu.memref_slice %arg6[%dma_wait3A_389, %dma_wait3A_397, %dma_wait3A_398] : memref<8x32x128xf32, #tpu.memory_space<vmem>> -> memref<1x32x128xf32, #tpu.memory_space<vmem>>
      %dma_wait3A_400 = tpu.memref_squeeze %dma_wait3A_399 : memref<1x32x128xf32, #tpu.memory_space<vmem>> -> memref<32x128xf32, #tpu.memory_space<vmem>>
      %dma_wait3A_401 = arith.constant 0 : i32
      %dma_wait3A_402 = arith.constant 0 : i32
      %dma_wait3A_403 = tpu.memref_slice %arg2[%dma_wait3A_401, %dma_wait3A_402] : memref<32x1000000xf32, #tpu.memory_space<hbm>> -> memref<32x128xf32, #tpu.memory_space<hbm>>
      tpu.wait_dma2 semaphore(%arg9 : memref<!tpu.dma_semaphore, #tpu.memory_space<semaphore_mem>>) src(%dma_wait3A_403 : memref<32x128xf32, #tpu.memory_space<hbm>>) dst(%dma_wait3A_400 : memref<32x128xf32, #tpu.memory_space<vmem>>)
      %dma_wait3A_404 = arith.constant 4 : i32
      %dma_wait3A_405 = arith.constant 0 : i32
      %dma_wait3A_406 = arith.constant 0 : i32
      %dma_wait3A_407 = tpu.memref_slice %arg6[%dma_wait3A_404, %dma_wait3A_405, %dma_wait3A_406] : memref<8x32x128xf32, #tpu.memory_space<vmem>> -> memref<1x32x128xf32, #tpu.memory_space<vmem>>
      %dma_wait3A_408 = tpu.memref_squeeze %dma_wait3A_407 : memref<1x32x128xf32, #tpu.memory_space<vmem>> -> memref<32x128xf32, #tpu.memory_space<vmem>>
      %dma_wait3A_409 = arith.constant 0 : i32
      %dma_wait3A_410 = arith.constant 0 : i32
      %dma_wait3A_411 = tpu.memref_slice %arg2[%dma_wait3A_409, %dma_wait3A_410] : memref<32x1000000xf32, #tpu.memory_space<hbm>> -> memref<32x128xf32, #tpu.memory_space<hbm>>
      %dma_wait3A_412 = arith.constant 0 : i32
      %dma_wait3A_413 = arith.constant 0 : i32
      %dma_wait3A_414 = tpu.memref_slice %arg6[%dma_wait3A_404, %dma_wait3A_412, %dma_wait3A_413] : memref<8x32x128xf32, #tpu.memory_space<vmem>> -> memref<1x32x128xf32, #tpu.memory_space<vmem>>
      %dma_wait3A_415 = tpu.memref_squeeze %dma_wait3A_414 : memref<1x32x128xf32, #tpu.memory_space<vmem>> -> memref<32x128xf32, #tpu.memory_space<vmem>>
      %dma_wait3A_416 = arith.constant 0 : i32
      %dma_wait3A_417 = arith.constant 0 : i32
      %dma_wait3A_418 = tpu.memref_slice %arg2[%dma_wait3A_416, %dma_wait3A_417] : memref<32x1000000xf32, #tpu.memory_space<hbm>> -> memref<32x128xf32, #tpu.memory_space<hbm>>
      tpu.wait_dma2 semaphore(%arg9 : memref<!tpu.dma_semaphore, #tpu.memory_space<semaphore_mem>>) src(%dma_wait3A_418 : memref<32x128xf32, #tpu.memory_space<hbm>>) dst(%dma_wait3A_415 : memref<32x128xf32, #tpu.memory_space<vmem>>)
      %dma_wait3A_419 = arith.constant 5 : i32
      %dma_wait3A_420 = arith.constant 0 : i32
      %dma_wait3A_421 = arith.constant 0 : i32
      %dma_wait3A_422 = tpu.memref_slice %arg6[%dma_wait3A_419, %dma_wait3A_420, %dma_wait3A_421] : memref<8x32x128xf32, #tpu.memory_space<vmem>> -> memref<1x32x128xf32, #tpu.memory_space<vmem>>
      %dma_wait3A_423 = tpu.memref_squeeze %dma_wait3A_422 : memref<1x32x128xf32, #tpu.memory_space<vmem>> -> memref<32x128xf32, #tpu.memory_space<vmem>>
      %dma_wait3A_424 = arith.constant 0 : i32
      %dma_wait3A_425 = arith.constant 0 : i32
      %dma_wait3A_426 = tpu.memref_slice %arg2[%dma_wait3A_424, %dma_wait3A_425] : memref<32x1000000xf32, #tpu.memory_space<hbm>> -> memref<32x128xf32, #tpu.memory_space<hbm>>
      %dma_wait3A_427 = arith.constant 0 : i32
      %dma_wait3A_428 = arith.constant 0 : i32
      %dma_wait3A_429 = tpu.memref_slice %arg6[%dma_wait3A_419, %dma_wait3A_427, %dma_wait3A_428] : memref<8x32x128xf32, #tpu.memory_space<vmem>> -> memref<1x32x128xf32, #tpu.memory_space<vmem>>
      %dma_wait3A_430 = tpu.memref_squeeze %dma_wait3A_429 : memref<1x32x128xf32, #tpu.memory_space<vmem>> -> memref<32x128xf32, #tpu.memory_space<vmem>>
      %dma_wait3A_431 = arith.constant 0 : i32
      %dma_wait3A_432 = arith.constant 0 : i32
      %dma_wait3A_433 = tpu.memref_slice %arg2[%dma_wait3A_431, %dma_wait3A_432] : memref<32x1000000xf32, #tpu.memory_space<hbm>> -> memref<32x128xf32, #tpu.memory_space<hbm>>
      tpu.wait_dma2 semaphore(%arg9 : memref<!tpu.dma_semaphore, #tpu.memory_space<semaphore_mem>>) src(%dma_wait3A_433 : memref<32x128xf32, #tpu.memory_space<hbm>>) dst(%dma_wait3A_430 : memref<32x128xf32, #tpu.memory_space<vmem>>)
      %dma_wait3A_434 = arith.constant 6 : i32
      %dma_wait3A_435 = arith.constant 0 : i32
      %dma_wait3A_436 = arith.constant 0 : i32
      %dma_wait3A_437 = tpu.memref_slice %arg6[%dma_wait3A_434, %dma_wait3A_435, %dma_wait3A_436] : memref<8x32x128xf32, #tpu.memory_space<vmem>> -> memref<1x32x128xf32, #tpu.memory_space<vmem>>
      %dma_wait3A_438 = tpu.memref_squeeze %dma_wait3A_437 : memref<1x32x128xf32, #tpu.memory_space<vmem>> -> memref<32x128xf32, #tpu.memory_space<vmem>>
      %dma_wait3A_439 = arith.constant 0 : i32
      %dma_wait3A_440 = arith.constant 0 : i32
      %dma_wait3A_441 = tpu.memref_slice %arg2[%dma_wait3A_439, %dma_wait3A_440] : memref<32x1000000xf32, #tpu.memory_space<hbm>> -> memref<32x128xf32, #tpu.memory_space<hbm>>
      %dma_wait3A_442 = arith.constant 0 : i32
      %dma_wait3A_443 = arith.constant 0 : i32
      %dma_wait3A_444 = tpu.memref_slice %arg6[%dma_wait3A_434, %dma_wait3A_442, %dma_wait3A_443] : memref<8x32x128xf32, #tpu.memory_space<vmem>> -> memref<1x32x128xf32, #tpu.memory_space<vmem>>
      %dma_wait3A_445 = tpu.memref_squeeze %dma_wait3A_444 : memref<1x32x128xf32, #tpu.memory_space<vmem>> -> memref<32x128xf32, #tpu.memory_space<vmem>>
      %dma_wait3A_446 = arith.constant 0 : i32
      %dma_wait3A_447 = arith.constant 0 : i32
      %dma_wait3A_448 = tpu.memref_slice %arg2[%dma_wait3A_446, %dma_wait3A_447] : memref<32x1000000xf32, #tpu.memory_space<hbm>> -> memref<32x128xf32, #tpu.memory_space<hbm>>
      tpu.wait_dma2 semaphore(%arg9 : memref<!tpu.dma_semaphore, #tpu.memory_space<semaphore_mem>>) src(%dma_wait3A_448 : memref<32x128xf32, #tpu.memory_space<hbm>>) dst(%dma_wait3A_445 : memref<32x128xf32, #tpu.memory_space<vmem>>)
      %dma_wait3A_449 = arith.constant 7 : i32
      %dma_wait3A_450 = arith.constant 0 : i32
      %dma_wait3A_451 = arith.constant 0 : i32
      %dma_wait3A_452 = tpu.memref_slice %arg6[%dma_wait3A_449, %dma_wait3A_450, %dma_wait3A_451] : memref<8x32x128xf32, #tpu.memory_space<vmem>> -> memref<1x32x128xf32, #tpu.memory_space<vmem>>
      %dma_wait3A_453 = tpu.memref_squeeze %dma_wait3A_452 : memref<1x32x128xf32, #tpu.memory_space<vmem>> -> memref<32x128xf32, #tpu.memory_space<vmem>>
      %dma_wait3A_454 = arith.constant 0 : i32
      %dma_wait3A_455 = arith.constant 0 : i32
      %dma_wait3A_456 = tpu.memref_slice %arg2[%dma_wait3A_454, %dma_wait3A_455] : memref<32x1000000xf32, #tpu.memory_space<hbm>> -> memref<32x128xf32, #tpu.memory_space<hbm>>
      %dma_wait3A_457 = arith.constant 0 : i32
      %dma_wait3A_458 = arith.constant 0 : i32
      %dma_wait3A_459 = tpu.memref_slice %arg6[%dma_wait3A_449, %dma_wait3A_457, %dma_wait3A_458] : memref<8x32x128xf32, #tpu.memory_space<vmem>> -> memref<1x32x128xf32, #tpu.memory_space<vmem>>
      %dma_wait3A_460 = tpu.memref_squeeze %dma_wait3A_459 : memref<1x32x128xf32, #tpu.memory_space<vmem>> -> memref<32x128xf32, #tpu.memory_space<vmem>>
      %dma_wait3A_461 = arith.constant 0 : i32
      %dma_wait3A_462 = arith.constant 0 : i32
      %dma_wait3A_463 = tpu.memref_slice %arg2[%dma_wait3A_461, %dma_wait3A_462] : memref<32x1000000xf32, #tpu.memory_space<hbm>> -> memref<32x128xf32, #tpu.memory_space<hbm>>
      tpu.wait_dma2 semaphore(%arg9 : memref<!tpu.dma_semaphore, #tpu.memory_space<semaphore_mem>>) src(%dma_wait3A_463 : memref<32x128xf32, #tpu.memory_space<hbm>>) dst(%dma_wait3A_460 : memref<32x128xf32, #tpu.memory_space<vmem>>)
      %mul3A_464 = arith.constant 2 : i32
      %mul3A_465 = arith.muli %add3A_177, %mul3A_464 : i32
      %mul3A_466 = arith.constant 8 : i32
      %mul3A_467 = arith.muli %mul3A_465, %mul3A_466 : i32
      %get3A_468 = arith.index_cast %mul3A_467 : i32 to index
      %get3A_469 = tpu.vector_load %arg5[%get3A_468] {strides = array<i32>} : memref<512xi32, #tpu.memory_space<vmem>>, vector<16xi32>,
      %slice3A_470 = vector.extract_strided_slice %get3A_469 {offsets = [0], sizes = [1], strides = [1]} : vector<16xi32> to vector<1xi32>
      %squeeze3A_471 = vector.extract %slice3A_470[0] : i32 from vector<1xi32>
      %and3A = arith.constant 127 : i32
      %and3A_472 = arith.andi %squeeze3A_471, %and3A : i32
      %broadcast_in_dim3A = vector.broadcast %and3A_472 : i32 to vector<16xi32>
      %mul3A_473 = arith.constant 2 : i32
      %mul3A_474 = arith.muli %add3A_177, %mul3A_473 : i32
      %mul3A_475 = arith.constant 8 : i32
      %mul3A_476 = arith.muli %mul3A_474, %mul3A_475 : i32
      %add3A_477 = arith.constant 0 : i32
      %add3A_478 = arith.addi %mul3A_476, %add3A_477 : i32
      %add3A_479 = arith.constant 0 : i32
      %add3A_480 = arith.addi %add3A_478, %add3A_479 : i32
      %broadcast_in_dim3A_481 = vector.broadcast %add3A_480 : i32 to vector<16xi32>
      %gather3A = arith.constant 0 : i32
      %gather3A_482 = arith.constant 0 : i32
      %gather3A_483 = arith.constant 0 : i32
      %gather3A_484 = tpu.memref_slice %arg6[%gather3A, %gather3A_482, %gather3A_483] : memref<8x32x128xf32, #tpu.memory_space<vmem>> -> memref<1x32x128xf32, #tpu.memory_space<vmem>>
      %gather3A_485 = tpu.memref_squeeze %gather3A_484 : memref<1x32x128xf32, #tpu.memory_space<vmem>> -> memref<32x128xf32, #tpu.memory_space<vmem>>
      %gather3A_486 = tpu.vector_load_idx %gather3A_485[%iota3A, %broadcast_in_dim3A] : memref<32x128xf32, #tpu.memory_space<vmem>>[vector<16xi32>, vector<16xi32>], vector<16xf32>,
      %add3A_487 = arith.constant 16 : i32
      %add3A_488 = vector.broadcast %add3A_487 : i32 to vector<16xi32>
      %add3A_489 = arith.addi %iota3A, %add3A_488 : vector<16xi32>
      %gather3A_490 = arith.constant 0 : i32
      %gather3A_491 = arith.constant 0 : i32
      %gather3A_492 = arith.constant 0 : i32
      %gather3A_493 = tpu.memref_slice %arg6[%gather3A_490, %gather3A_491, %gather3A_492] : memref<8x32x128xf32, #tpu.memory_space<vmem>> -> memref<1x32x128xf32, #tpu.memory_space<vmem>>
      %gather3A_494 = tpu.memref_squeeze %gather3A_493 : memref<1x32x128xf32, #tpu.memory_space<vmem>> -> memref<32x128xf32, #tpu.memory_space<vmem>>
      %gather3A_495 = tpu.vector_load_idx %gather3A_494[%add3A_489, %broadcast_in_dim3A] : memref<32x128xf32, #tpu.memory_space<vmem>>[vector<16xi32>, vector<16xi32>], vector<16xf32>,
      tpu.vector_store_idx %arg8[%iota3A, %broadcast_in_dim3A_481], %gather3A_486 : memref<32x512xf32, #tpu.memory_space<vmem>>[vector<16xi32>, vector<16xi32>], vector<16xf32>,
      %add3A_496 = arith.constant 16 : i32
      %add3A_497 = vector.broadcast %add3A_496 : i32 to vector<16xi32>
      %add3A_498 = arith.addi %iota3A, %add3A_497 : vector<16xi32>
      tpu.vector_store_idx %arg8[%add3A_498, %broadcast_in_dim3A_481], %gather3A_495 : memref<32x512xf32, #tpu.memory_space<vmem>>[vector<16xi32>, vector<16xi32>], vector<16xf32>,
      %slice3A_499 = vector.extract_strided_slice %get3A_469 {offsets = [1], sizes = [1], strides = [1]} : vector<16xi32> to vector<1xi32>
      %squeeze3A_500 = vector.extract %slice3A_499[0] : i32 from vector<1xi32>
      %and3A_501 = arith.constant 127 : i32
      %and3A_502 = arith.andi %squeeze3A_500, %and3A_501 : i32
      %broadcast_in_dim3A_503 = vector.broadcast %and3A_502 : i32 to vector<16xi32>
      %mul3A_504 = arith.constant 2 : i32
      %mul3A_505 = arith.muli %add3A_177, %mul3A_504 : i32
      %mul3A_506 = arith.constant 8 : i32
      %mul3A_507 = arith.muli %mul3A_505, %mul3A_506 : i32
      %add3A_508 = arith.constant 0 : i32
      %add3A_509 = arith.addi %mul3A_507, %add3A_508 : i32
      %add3A_510 = arith.constant 1 : i32
      %add3A_511 = arith.addi %add3A_509, %add3A_510 : i32
      %broadcast_in_dim3A_512 = vector.broadcast %add3A_511 : i32 to vector<16xi32>
      %gather3A_513 = arith.constant 1 : i32
      %gather3A_514 = arith.constant 0 : i32
      %gather3A_515 = arith.constant 0 : i32
      %gather3A_516 = tpu.memref_slice %arg6[%gather3A_513, %gather3A_514, %gather3A_515] : memref<8x32x128xf32, #tpu.memory_space<vmem>> -> memref<1x32x128xf32, #tpu.memory_space<vmem>>
      %gather3A_517 = tpu.memref_squeeze %gather3A_516 : memref<1x32x128xf32, #tpu.memory_space<vmem>> -> memref<32x128xf32, #tpu.memory_space<vmem>>
      %gather3A_518 = tpu.vector_load_idx %gather3A_517[%iota3A, %broadcast_in_dim3A_503] : memref<32x128xf32, #tpu.memory_space<vmem>>[vector<16xi32>, vector<16xi32>], vector<16xf32>,
      %add3A_519 = arith.constant 16 : i32
      %add3A_520 = vector.broadcast %add3A_519 : i32 to vector<16xi32>
      %add3A_521 = arith.addi %iota3A, %add3A_520 : vector<16xi32>
      %gather3A_522 = arith.constant 1 : i32
      %gather3A_523 = arith.constant 0 : i32
      %gather3A_524 = arith.constant 0 : i32
      %gather3A_525 = tpu.memref_slice %arg6[%gather3A_522, %gather3A_523, %gather3A_524] : memref<8x32x128xf32, #tpu.memory_space<vmem>> -> memref<1x32x128xf32, #tpu.memory_space<vmem>>
      %gather3A_526 = tpu.memref_squeeze %gather3A_525 : memref<1x32x128xf32, #tpu.memory_space<vmem>> -> memref<32x128xf32, #tpu.memory_space<vmem>>
      %gather3A_527 = tpu.vector_load_idx %gather3A_526[%add3A_521, %broadcast_in_dim3A_503] : memref<32x128xf32, #tpu.memory_space<vmem>>[vector<16xi32>, vector<16xi32>], vector<16xf32>,
      tpu.vector_store_idx %arg8[%iota3A, %broadcast_in_dim3A_512], %gather3A_518 : memref<32x512xf32, #tpu.memory_space<vmem>>[vector<16xi32>, vector<16xi32>], vector<16xf32>,
      %add3A_528 = arith.constant 16 : i32
      %add3A_529 = vector.broadcast %add3A_528 : i32 to vector<16xi32>
      %add3A_530 = arith.addi %iota3A, %add3A_529 : vector<16xi32>
      tpu.vector_store_idx %arg8[%add3A_530, %broadcast_in_dim3A_512], %gather3A_527 : memref<32x512xf32, #tpu.memory_space<vmem>>[vector<16xi32>, vector<16xi32>], vector<16xf32>,
      %slice3A_531 = vector.extract_strided_slice %get3A_469 {offsets = [2], sizes = [1], strides = [1]} : vector<16xi32> to vector<1xi32>
      %squeeze3A_532 = vector.extract %slice3A_531[0] : i32 from vector<1xi32>
      %and3A_533 = arith.constant 127 : i32
      %and3A_534 = arith.andi %squeeze3A_532, %and3A_533 : i32
      %broadcast_in_dim3A_535 = vector.broadcast %and3A_534 : i32 to vector<16xi32>
      %mul3A_536 = arith.constant 2 : i32
      %mul3A_537 = arith.muli %add3A_177, %mul3A_536 : i32
      %mul3A_538 = arith.constant 8 : i32
      %mul3A_539 = arith.muli %mul3A_537, %mul3A_538 : i32
      %add3A_540 = arith.constant 0 : i32
      %add3A_541 = arith.addi %mul3A_539, %add3A_540 : i32
      %add3A_542 = arith.constant 2 : i32
      %add3A_543 = arith.addi %add3A_541, %add3A_542 : i32
      %broadcast_in_dim3A_544 = vector.broadcast %add3A_543 : i32 to vector<16xi32>
      %gather3A_545 = arith.constant 2 : i32
      %gather3A_546 = arith.constant 0 : i32
      %gather3A_547 = arith.constant 0 : i32
      %gather3A_548 = tpu.memref_slice %arg6[%gather3A_545, %gather3A_546, %gather3A_547] : memref<8x32x128xf32, #tpu.memory_space<vmem>> -> memref<1x32x128xf32, #tpu.memory_space<vmem>>
      %gather3A_549 = tpu.memref_squeeze %gather3A_548 : memref<1x32x128xf32, #tpu.memory_space<vmem>> -> memref<32x128xf32, #tpu.memory_space<vmem>>
      %gather3A_550 = tpu.vector_load_idx %gather3A_549[%iota3A, %broadcast_in_dim3A_535] : memref<32x128xf32, #tpu.memory_space<vmem>>[vector<16xi32>, vector<16xi32>], vector<16xf32>,
      %add3A_551 = arith.constant 16 : i32
      %add3A_552 = vector.broadcast %add3A_551 : i32 to vector<16xi32>
      %add3A_553 = arith.addi %iota3A, %add3A_552 : vector<16xi32>
      %gather3A_554 = arith.constant 2 : i32
      %gather3A_555 = arith.constant 0 : i32
      %gather3A_556 = arith.constant 0 : i32
      %gather3A_557 = tpu.memref_slice %arg6[%gather3A_554, %gather3A_555, %gather3A_556] : memref<8x32x128xf32, #tpu.memory_space<vmem>> -> memref<1x32x128xf32, #tpu.memory_space<vmem>>
      %gather3A_558 = tpu.memref_squeeze %gather3A_557 : memref<1x32x128xf32, #tpu.memory_space<vmem>> -> memref<32x128xf32, #tpu.memory_space<vmem>>
      %gather3A_559 = tpu.vector_load_idx %gather3A_558[%add3A_553, %broadcast_in_dim3A_535] : memref<32x128xf32, #tpu.memory_space<vmem>>[vector<16xi32>, vector<16xi32>], vector<16xf32>,
      tpu.vector_store_idx %arg8[%iota3A, %broadcast_in_dim3A_544], %gather3A_550 : memref<32x512xf32, #tpu.memory_space<vmem>>[vector<16xi32>, vector<16xi32>], vector<16xf32>,
      %add3A_560 = arith.constant 16 : i32
      %add3A_561 = vector.broadcast %add3A_560 : i32 to vector<16xi32>
      %add3A_562 = arith.addi %iota3A, %add3A_561 : vector<16xi32>
      tpu.vector_store_idx %arg8[%add3A_562, %broadcast_in_dim3A_544], %gather3A_559 : memref<32x512xf32, #tpu.memory_space<vmem>>[vector<16xi32>, vector<16xi32>], vector<16xf32>,
      %slice3A_563 = vector.extract_strided_slice %get3A_469 {offsets = [3], sizes = [1], strides = [1]} : vector<16xi32> to vector<1xi32>
      %squeeze3A_564 = vector.extract %slice3A_563[0] : i32 from vector<1xi32>
      %and3A_565 = arith.constant 127 : i32
      %and3A_566 = arith.andi %squeeze3A_564, %and3A_565 : i32
      %broadcast_in_dim3A_567 = vector.broadcast %and3A_566 : i32 to vector<16xi32>
      %mul3A_568 = arith.constant 2 : i32
      %mul3A_569 = arith.muli %add3A_177, %mul3A_568 : i32
      %mul3A_570 = arith.constant 8 : i32
      %mul3A_571 = arith.muli %mul3A_569, %mul3A_570 : i32
      %add3A_572 = arith.constant 0 : i32
      %add3A_573 = arith.addi %mul3A_571, %add3A_572 : i32
      %add3A_574 = arith.constant 3 : i32
      %add3A_575 = arith.addi %add3A_573, %add3A_574 : i32
      %broadcast_in_dim3A_576 = vector.broadcast %add3A_575 : i32 to vector<16xi32>
      %gather3A_577 = arith.constant 3 : i32
      %gather3A_578 = arith.constant 0 : i32
      %gather3A_579 = arith.constant 0 : i32
      %gather3A_580 = tpu.memref_slice %arg6[%gather3A_577, %gather3A_578, %gather3A_579] : memref<8x32x128xf32, #tpu.memory_space<vmem>> -> memref<1x32x128xf32, #tpu.memory_space<vmem>>
      %gather3A_581 = tpu.memref_squeeze %gather3A_580 : memref<1x32x128xf32, #tpu.memory_space<vmem>> -> memref<32x128xf32, #tpu.memory_space<vmem>>
      %gather3A_582 = tpu.vector_load_idx %gather3A_581[%iota3A, %broadcast_in_dim3A_567] : memref<32x128xf32, #tpu.memory_space<vmem>>[vector<16xi32>, vector<16xi32>], vector<16xf32>,
      %add3A_583 = arith.constant 16 : i32
      %add3A_584 = vector.broadcast %add3A_583 : i32 to vector<16xi32>
      %add3A_585 = arith.addi %iota3A, %add3A_584 : vector<16xi32>
      %gather3A_586 = arith.constant 3 : i32
      %gather3A_587 = arith.constant 0 : i32
      %gather3A_588 = arith.constant 0 : i32
      %gather3A_589 = tpu.memref_slice %arg6[%gather3A_586, %gather3A_587, %gather3A_588] : memref<8x32x128xf32, #tpu.memory_space<vmem>> -> memref<1x32x128xf32, #tpu.memory_space<vmem>>
      %gather3A_590 = tpu.memref_squeeze %gather3A_589 : memref<1x32x128xf32, #tpu.memory_space<vmem>> -> memref<32x128xf32, #tpu.memory_space<vmem>>
      %gather3A_591 = tpu.vector_load_idx %gather3A_590[%add3A_585, %broadcast_in_dim3A_567] : memref<32x128xf32, #tpu.memory_space<vmem>>[vector<16xi32>, vector<16xi32>], vector<16xf32>,
      tpu.vector_store_idx %arg8[%iota3A, %broadcast_in_dim3A_576], %gather3A_582 : memref<32x512xf32, #tpu.memory_space<vmem>>[vector<16xi32>, vector<16xi32>], vector<16xf32>,
      %add3A_592 = arith.constant 16 : i32
      %add3A_593 = vector.broadcast %add3A_592 : i32 to vector<16xi32>
      %add3A_594 = arith.addi %iota3A, %add3A_593 : vector<16xi32>
      tpu.vector_store_idx %arg8[%add3A_594, %broadcast_in_dim3A_576], %gather3A_591 : memref<32x512xf32, #tpu.memory_space<vmem>>[vector<16xi32>, vector<16xi32>], vector<16xf32>,
      %slice3A_595 = vector.extract_strided_slice %get3A_469 {offsets = [4], sizes = [1], strides = [1]} : vector<16xi32> to vector<1xi32>
      %squeeze3A_596 = vector.extract %slice3A_595[0] : i32 from vector<1xi32>
      %and3A_597 = arith.constant 127 : i32
      %and3A_598 = arith.andi %squeeze3A_596, %and3A_597 : i32
      %broadcast_in_dim3A_599 = vector.broadcast %and3A_598 : i32 to vector<16xi32>
      %mul3A_600 = arith.constant 2 : i32
      %mul3A_601 = arith.muli %add3A_177, %mul3A_600 : i32
      %mul3A_602 = arith.constant 8 : i32
      %mul3A_603 = arith.muli %mul3A_601, %mul3A_602 : i32
      %add3A_604 = arith.constant 0 : i32
      %add3A_605 = arith.addi %mul3A_603, %add3A_604 : i32
      %add3A_606 = arith.constant 4 : i32
      %add3A_607 = arith.addi %add3A_605, %add3A_606 : i32
      %broadcast_in_dim3A_608 = vector.broadcast %add3A_607 : i32 to vector<16xi32>
      %gather3A_609 = arith.constant 4 : i32
      %gather3A_610 = arith.constant 0 : i32
      %gather3A_611 = arith.constant 0 : i32
      %gather3A_612 = tpu.memref_slice %arg6[%gather3A_609, %gather3A_610, %gather3A_611] : memref<8x32x128xf32, #tpu.memory_space<vmem>> -> memref<1x32x128xf32, #tpu.memory_space<vmem>>
      %gather3A_613 = tpu.memref_squeeze %gather3A_612 : memref<1x32x128xf32, #tpu.memory_space<vmem>> -> memref<32x128xf32, #tpu.memory_space<vmem>>
      %gather3A_614 = tpu.vector_load_idx %gather3A_613[%iota3A, %broadcast_in_dim3A_599] : memref<32x128xf32, #tpu.memory_space<vmem>>[vector<16xi32>, vector<16xi32>], vector<16xf32>,
      %add3A_615 = arith.constant 16 : i32
      %add3A_616 = vector.broadcast %add3A_615 : i32 to vector<16xi32>
      %add3A_617 = arith.addi %iota3A, %add3A_616 : vector<16xi32>
      %gather3A_618 = arith.constant 4 : i32
      %gather3A_619 = arith.constant 0 : i32
      %gather3A_620 = arith.constant 0 : i32
      %gather3A_621 = tpu.memref_slice %arg6[%gather3A_618, %gather3A_619, %gather3A_620] : memref<8x32x128xf32, #tpu.memory_space<vmem>> -> memref<1x32x128xf32, #tpu.memory_space<vmem>>
      %gather3A_622 = tpu.memref_squeeze %gather3A_621 : memref<1x32x128xf32, #tpu.memory_space<vmem>> -> memref<32x128xf32, #tpu.memory_space<vmem>>
      %gather3A_623 = tpu.vector_load_idx %gather3A_622[%add3A_617, %broadcast_in_dim3A_599] : memref<32x128xf32, #tpu.memory_space<vmem>>[vector<16xi32>, vector<16xi32>], vector<16xf32>,
      tpu.vector_store_idx %arg8[%iota3A, %broadcast_in_dim3A_608], %gather3A_614 : memref<32x512xf32, #tpu.memory_space<vmem>>[vector<16xi32>, vector<16xi32>], vector<16xf32>,
      %add3A_624 = arith.constant 16 : i32
      %add3A_625 = vector.broadcast %add3A_624 : i32 to vector<16xi32>
      %add3A_626 = arith.addi %iota3A, %add3A_625 : vector<16xi32>
      tpu.vector_store_idx %arg8[%add3A_626, %broadcast_in_dim3A_608], %gather3A_623 : memref<32x512xf32, #tpu.memory_space<vmem>>[vector<16xi32>, vector<16xi32>], vector<16xf32>,
      %slice3A_627 = vector.extract_strided_slice %get3A_469 {offsets = [5], sizes = [1], strides = [1]} : vector<16xi32> to vector<1xi32>
      %squeeze3A_628 = vector.extract %slice3A_627[0] : i32 from vector<1xi32>
      %and3A_629 = arith.constant 127 : i32
      %and3A_630 = arith.andi %squeeze3A_628, %and3A_629 : i32
      %broadcast_in_dim3A_631 = vector.broadcast %and3A_630 : i32 to vector<16xi32>
      %mul3A_632 = arith.constant 2 : i32
      %mul3A_633 = arith.muli %add3A_177, %mul3A_632 : i32
      %mul3A_634 = arith.constant 8 : i32
      %mul3A_635 = arith.muli %mul3A_633, %mul3A_634 : i32
      %add3A_636 = arith.constant 0 : i32
      %add3A_637 = arith.addi %mul3A_635, %add3A_636 : i32
      %add3A_638 = arith.constant 5 : i32
      %add3A_639 = arith.addi %add3A_637, %add3A_638 : i32
      %broadcast_in_dim3A_640 = vector.broadcast %add3A_639 : i32 to vector<16xi32>
      %gather3A_641 = arith.constant 5 : i32
      %gather3A_642 = arith.constant 0 : i32
      %gather3A_643 = arith.constant 0 : i32
      %gather3A_644 = tpu.memref_slice %arg6[%gather3A_641, %gather3A_642, %gather3A_643] : memref<8x32x128xf32, #tpu.memory_space<vmem>> -> memref<1x32x128xf32, #tpu.memory_space<vmem>>
      %gather3A_645 = tpu.memref_squeeze %gather3A_644 : memref<1x32x128xf32, #tpu.memory_space<vmem>> -> memref<32x128xf32, #tpu.memory_space<vmem>>
      %gather3A_646 = tpu.vector_load_idx %gather3A_645[%iota3A, %broadcast_in_dim3A_631] : memref<32x128xf32, #tpu.memory_space<vmem>>[vector<16xi32>, vector<16xi32>], vector<16xf32>,
      %add3A_647 = arith.constant 16 : i32
      %add3A_648 = vector.broadcast %add3A_647 : i32 to vector<16xi32>
      %add3A_649 = arith.addi %iota3A, %add3A_648 : vector<16xi32>
      %gather3A_650 = arith.constant 5 : i32
      %gather3A_651 = arith.constant 0 : i32
      %gather3A_652 = arith.constant 0 : i32
      %gather3A_653 = tpu.memref_slice %arg6[%gather3A_650, %gather3A_651, %gather3A_652] : memref<8x32x128xf32, #tpu.memory_space<vmem>> -> memref<1x32x128xf32, #tpu.memory_space<vmem>>
      %gather3A_654 = tpu.memref_squeeze %gather3A_653 : memref<1x32x128xf32, #tpu.memory_space<vmem>> -> memref<32x128xf32, #tpu.memory_space<vmem>>
      %gather3A_655 = tpu.vector_load_idx %gather3A_654[%add3A_649, %broadcast_in_dim3A_631] : memref<32x128xf32, #tpu.memory_space<vmem>>[vector<16xi32>, vector<16xi32>], vector<16xf32>,
      tpu.vector_store_idx %arg8[%iota3A, %broadcast_in_dim3A_640], %gather3A_646 : memref<32x512xf32, #tpu.memory_space<vmem>>[vector<16xi32>, vector<16xi32>], vector<16xf32>,
      %add3A_656 = arith.constant 16 : i32
      %add3A_657 = vector.broadcast %add3A_656 : i32 to vector<16xi32>
      %add3A_658 = arith.addi %iota3A, %add3A_657 : vector<16xi32>
      tpu.vector_store_idx %arg8[%add3A_658, %broadcast_in_dim3A_640], %gather3A_655 : memref<32x512xf32, #tpu.memory_space<vmem>>[vector<16xi32>, vector<16xi32>], vector<16xf32>,
      %slice3A_659 = vector.extract_strided_slice %get3A_469 {offsets = [6], sizes = [1], strides = [1]} : vector<16xi32> to vector<1xi32>
      %squeeze3A_660 = vector.extract %slice3A_659[0] : i32 from vector<1xi32>
      %and3A_661 = arith.constant 127 : i32
      %and3A_662 = arith.andi %squeeze3A_660, %and3A_661 : i32
      %broadcast_in_dim3A_663 = vector.broadcast %and3A_662 : i32 to vector<16xi32>
      %mul3A_664 = arith.constant 2 : i32
      %mul3A_665 = arith.muli %add3A_177, %mul3A_664 : i32
      %mul3A_666 = arith.constant 8 : i32
      %mul3A_667 = arith.muli %mul3A_665, %mul3A_666 : i32
      %add3A_668 = arith.constant 0 : i32
      %add3A_669 = arith.addi %mul3A_667, %add3A_668 : i32
      %add3A_670 = arith.constant 6 : i32
      %add3A_671 = arith.addi %add3A_669, %add3A_670 : i32
      %broadcast_in_dim3A_672 = vector.broadcast %add3A_671 : i32 to vector<16xi32>
      %gather3A_673 = arith.constant 6 : i32
      %gather3A_674 = arith.constant 0 : i32
      %gather3A_675 = arith.constant 0 : i32
      %gather3A_676 = tpu.memref_slice %arg6[%gather3A_673, %gather3A_674, %gather3A_675] : memref<8x32x128xf32, #tpu.memory_space<vmem>> -> memref<1x32x128xf32, #tpu.memory_space<vmem>>
      %gather3A_677 = tpu.memref_squeeze %gather3A_676 : memref<1x32x128xf32, #tpu.memory_space<vmem>> -> memref<32x128xf32, #tpu.memory_space<vmem>>
      %gather3A_678 = tpu.vector_load_idx %gather3A_677[%iota3A, %broadcast_in_dim3A_663] : memref<32x128xf32, #tpu.memory_space<vmem>>[vector<16xi32>, vector<16xi32>], vector<16xf32>,
      %add3A_679 = arith.constant 16 : i32
      %add3A_680 = vector.broadcast %add3A_679 : i32 to vector<16xi32>
      %add3A_681 = arith.addi %iota3A, %add3A_680 : vector<16xi32>
      %gather3A_682 = arith.constant 6 : i32
      %gather3A_683 = arith.constant 0 : i32
      %gather3A_684 = arith.constant 0 : i32
      %gather3A_685 = tpu.memref_slice %arg6[%gather3A_682, %gather3A_683, %gather3A_684] : memref<8x32x128xf32, #tpu.memory_space<vmem>> -> memref<1x32x128xf32, #tpu.memory_space<vmem>>
      %gather3A_686 = tpu.memref_squeeze %gather3A_685 : memref<1x32x128xf32, #tpu.memory_space<vmem>> -> memref<32x128xf32, #tpu.memory_space<vmem>>
      %gather3A_687 = tpu.vector_load_idx %gather3A_686[%add3A_681, %broadcast_in_dim3A_663] : memref<32x128xf32, #tpu.memory_space<vmem>>[vector<16xi32>, vector<16xi32>], vector<16xf32>,
      tpu.vector_store_idx %arg8[%iota3A, %broadcast_in_dim3A_672], %gather3A_678 : memref<32x512xf32, #tpu.memory_space<vmem>>[vector<16xi32>, vector<16xi32>], vector<16xf32>,
      %add3A_688 = arith.constant 16 : i32
      %add3A_689 = vector.broadcast %add3A_688 : i32 to vector<16xi32>
      %add3A_690 = arith.addi %iota3A, %add3A_689 : vector<16xi32>
      tpu.vector_store_idx %arg8[%add3A_690, %broadcast_in_dim3A_672], %gather3A_687 : memref<32x512xf32, #tpu.memory_space<vmem>>[vector<16xi32>, vector<16xi32>], vector<16xf32>,
      %slice3A_691 = vector.extract_strided_slice %get3A_469 {offsets = [7], sizes = [1], strides = [1]} : vector<16xi32> to vector<1xi32>
      %squeeze3A_692 = vector.extract %slice3A_691[0] : i32 from vector<1xi32>
      %and3A_693 = arith.constant 127 : i32
      %and3A_694 = arith.andi %squeeze3A_692, %and3A_693 : i32
      %broadcast_in_dim3A_695 = vector.broadcast %and3A_694 : i32 to vector<16xi32>
      %mul3A_696 = arith.constant 2 : i32
      %mul3A_697 = arith.muli %add3A_177, %mul3A_696 : i32
      %mul3A_698 = arith.constant 8 : i32
      %mul3A_699 = arith.muli %mul3A_697, %mul3A_698 : i32
      %add3A_700 = arith.constant 0 : i32
      %add3A_701 = arith.addi %mul3A_699, %add3A_700 : i32
      %add3A_702 = arith.constant 7 : i32
      %add3A_703 = arith.addi %add3A_701, %add3A_702 : i32
      %broadcast_in_dim3A_704 = vector.broadcast %add3A_703 : i32 to vector<16xi32>
      %gather3A_705 = arith.constant 7 : i32
      %gather3A_706 = arith.constant 0 : i32
      %gather3A_707 = arith.constant 0 : i32
      %gather3A_708 = tpu.memref_slice %arg6[%gather3A_705, %gather3A_706, %gather3A_707] : memref<8x32x128xf32, #tpu.memory_space<vmem>> -> memref<1x32x128xf32, #tpu.memory_space<vmem>>
      %gather3A_709 = tpu.memref_squeeze %gather3A_708 : memref<1x32x128xf32, #tpu.memory_space<vmem>> -> memref<32x128xf32, #tpu.memory_space<vmem>>
      %gather3A_710 = tpu.vector_load_idx %gather3A_709[%iota3A, %broadcast_in_dim3A_695] : memref<32x128xf32, #tpu.memory_space<vmem>>[vector<16xi32>, vector<16xi32>], vector<16xf32>,
      %add3A_711 = arith.constant 16 : i32
      %add3A_712 = vector.broadcast %add3A_711 : i32 to vector<16xi32>
      %add3A_713 = arith.addi %iota3A, %add3A_712 : vector<16xi32>
      %gather3A_714 = arith.constant 7 : i32
      %gather3A_715 = arith.constant 0 : i32
      %gather3A_716 = arith.constant 0 : i32
      %gather3A_717 = tpu.memref_slice %arg6[%gather3A_714, %gather3A_715, %gather3A_716] : memref<8x32x128xf32, #tpu.memory_space<vmem>> -> memref<1x32x128xf32, #tpu.memory_space<vmem>>
      %gather3A_718 = tpu.memref_squeeze %gather3A_717 : memref<1x32x128xf32, #tpu.memory_space<vmem>> -> memref<32x128xf32, #tpu.memory_space<vmem>>
      %gather3A_719 = tpu.vector_load_idx %gather3A_718[%add3A_713, %broadcast_in_dim3A_695] : memref<32x128xf32, #tpu.memory_space<vmem>>[vector<16xi32>, vector<16xi32>], vector<16xf32>,
      tpu.vector_store_idx %arg8[%iota3A, %broadcast_in_dim3A_704], %gather3A_710 : memref<32x512xf32, #tpu.memory_space<vmem>>[vector<16xi32>, vector<16xi32>], vector<16xf32>,
      %add3A_720 = arith.constant 16 : i32
      %add3A_721 = vector.broadcast %add3A_720 : i32 to vector<16xi32>
      %add3A_722 = arith.addi %iota3A, %add3A_721 : vector<16xi32>
      tpu.vector_store_idx %arg8[%add3A_722, %broadcast_in_dim3A_704], %gather3A_719 : memref<32x512xf32, #tpu.memory_space<vmem>>[vector<16xi32>, vector<16xi32>], vector<16xf32>,
      %add3A_723 = arith.constant 1 : i32
      %add3A_724 = arith.addi %add3A_177, %add3A_723 : i32
      %lt3A = arith.constant 32 : i32
      %lt3A_725 = arith.cmpi slt, %add3A_724, %lt3A : i32
      %convert_element_type3A = arith.extui %lt3A_725 : i1 to i32
      %cond3A = arith.constant 0 : i32
      %cond3A_726 = arith.cmpi ne, %convert_element_type3A, %cond3A : i32
      scf.if %cond3A_726 {
        %add3A_1109 = arith.constant 1 : i32
        %add3A_1110 = arith.addi %add3A_177, %add3A_1109 : i32
        %mul3A_1111 = arith.constant 2 : i32
        %mul3A_1112 = arith.muli %add3A_1110, %mul3A_1111 : i32
        %mul3A_1113 = arith.constant 8 : i32
        %mul3A_1114 = arith.muli %mul3A_1112, %mul3A_1113 : i32
        %get3A_1115 = arith.index_cast %mul3A_1114 : i32 to index
        %get3A_1116 = tpu.vector_load %arg5[%get3A_1115] {strides = array<i32>} : memref<512xi32, #tpu.memory_space<vmem>>, vector<16xi32>,
        %slice3A_1117 = vector.extract_strided_slice %get3A_1116 {offsets = [0], sizes = [1], strides = [1]} : vector<16xi32> to vector<1xi32>
        %squeeze3A_1118 = vector.extract %slice3A_1117[0] : i32 from vector<1xi32>
        %shift_right_arithmetic3A_1119 = arith.constant 7 : i32
        %shift_right_arithmetic3A_1120 = arith.shrsi %squeeze3A_1118, %shift_right_arithmetic3A_1119 : i32
        %shift_left3A_1121 = arith.constant 7 : i32
        %shift_left3A_1122 = arith.shli %shift_right_arithmetic3A_1120, %shift_left3A_1121 : i32
        %multiple_of3A_1123 = tpu.assume_multiple %shift_left3A_1122, 128 : i32
        %dma_start3A_1124 = arith.constant 0 : i32
        %dma_start3A_1125 = arith.constant 0 : i32
        %dma_start3A_1126 = arith.constant 0 : i32
        %dma_start3A_1127 = tpu.memref_slice %arg6[%dma_start3A_1124, %dma_start3A_1125, %dma_start3A_1126] : memref<8x32x128xf32, #tpu.memory_space<vmem>> -> memref<1x32x128xf32, #tpu.memory_space<vmem>>
        %dma_start3A_1128 = tpu.memref_squeeze %dma_start3A_1127 : memref<1x32x128xf32, #tpu.memory_space<vmem>> -> memref<32x128xf32, #tpu.memory_space<vmem>>
        %dma_start3A_1129 = arith.constant 0 : i32
        %dma_start3A_1130 = tpu.memref_slice %arg2[%dma_start3A_1129, %multiple_of3A_1123] : memref<32x1000000xf32, #tpu.memory_space<hbm>> -> memref<32x128xf32, #tpu.memory_space<hbm>>
        %dma_start3A_1131 = arith.constant 0 : i32
        %dma_start3A_1132 = arith.constant 0 : i32
        %dma_start3A_1133 = tpu.memref_slice %arg6[%dma_start3A_1124, %dma_start3A_1131, %dma_start3A_1132] : memref<8x32x128xf32, #tpu.memory_space<vmem>> -> memref<1x32x128xf32, #tpu.memory_space<vmem>>
        %dma_start3A_1134 = tpu.memref_squeeze %dma_start3A_1133 : memref<1x32x128xf32, #tpu.memory_space<vmem>> -> memref<32x128xf32, #tpu.memory_space<vmem>>
        %dma_start3A_1135 = arith.constant 0 : i32
        %dma_start3A_1136 = tpu.memref_slice %arg2[%dma_start3A_1135, %multiple_of3A_1123] : memref<32x1000000xf32, #tpu.memory_space<hbm>> -> memref<32x128xf32, #tpu.memory_space<hbm>>
        tpu.enqueue_dma source(%dma_start3A_1136 : memref<32x128xf32, #tpu.memory_space<hbm>>) target(%dma_start3A_1134 : memref<32x128xf32, #tpu.memory_space<vmem>>) target_semaphore(%arg9 : memref<!tpu.dma_semaphore, #tpu.memory_space<semaphore_mem>>)
        %slice3A_1137 = vector.extract_strided_slice %get3A_1116 {offsets = [1], sizes = [1], strides = [1]} : vector<16xi32> to vector<1xi32>
        %squeeze3A_1138 = vector.extract %slice3A_1137[0] : i32 from vector<1xi32>
        %shift_right_arithmetic3A_1139 = arith.constant 7 : i32
        %shift_right_arithmetic3A_1140 = arith.shrsi %squeeze3A_1138, %shift_right_arithmetic3A_1139 : i32
        %shift_left3A_1141 = arith.constant 7 : i32
        %shift_left3A_1142 = arith.shli %shift_right_arithmetic3A_1140, %shift_left3A_1141 : i32
        %multiple_of3A_1143 = tpu.assume_multiple %shift_left3A_1142, 128 : i32
        %dma_start3A_1144 = arith.constant 1 : i32
        %dma_start3A_1145 = arith.constant 0 : i32
        %dma_start3A_1146 = arith.constant 0 : i32
        %dma_start3A_1147 = tpu.memref_slice %arg6[%dma_start3A_1144, %dma_start3A_1145, %dma_start3A_1146] : memref<8x32x128xf32, #tpu.memory_space<vmem>> -> memref<1x32x128xf32, #tpu.memory_space<vmem>>
        %dma_start3A_1148 = tpu.memref_squeeze %dma_start3A_1147 : memref<1x32x128xf32, #tpu.memory_space<vmem>> -> memref<32x128xf32, #tpu.memory_space<vmem>>
        %dma_start3A_1149 = arith.constant 0 : i32
        %dma_start3A_1150 = tpu.memref_slice %arg2[%dma_start3A_1149, %multiple_of3A_1143] : memref<32x1000000xf32, #tpu.memory_space<hbm>> -> memref<32x128xf32, #tpu.memory_space<hbm>>
        %dma_start3A_1151 = arith.constant 0 : i32
        %dma_start3A_1152 = arith.constant 0 : i32
        %dma_start3A_1153 = tpu.memref_slice %arg6[%dma_start3A_1144, %dma_start3A_1151, %dma_start3A_1152] : memref<8x32x128xf32, #tpu.memory_space<vmem>> -> memref<1x32x128xf32, #tpu.memory_space<vmem>>
        %dma_start3A_1154 = tpu.memref_squeeze %dma_start3A_1153 : memref<1x32x128xf32, #tpu.memory_space<vmem>> -> memref<32x128xf32, #tpu.memory_space<vmem>>
        %dma_start3A_1155 = arith.constant 0 : i32
        %dma_start3A_1156 = tpu.memref_slice %arg2[%dma_start3A_1155, %multiple_of3A_1143] : memref<32x1000000xf32, #tpu.memory_space<hbm>> -> memref<32x128xf32, #tpu.memory_space<hbm>>
        tpu.enqueue_dma source(%dma_start3A_1156 : memref<32x128xf32, #tpu.memory_space<hbm>>) target(%dma_start3A_1154 : memref<32x128xf32, #tpu.memory_space<vmem>>) target_semaphore(%arg9 : memref<!tpu.dma_semaphore, #tpu.memory_space<semaphore_mem>>)
        %slice3A_1157 = vector.extract_strided_slice %get3A_1116 {offsets = [2], sizes = [1], strides = [1]} : vector<16xi32> to vector<1xi32>
        %squeeze3A_1158 = vector.extract %slice3A_1157[0] : i32 from vector<1xi32>
        %shift_right_arithmetic3A_1159 = arith.constant 7 : i32
        %shift_right_arithmetic3A_1160 = arith.shrsi %squeeze3A_1158, %shift_right_arithmetic3A_1159 : i32
        %shift_left3A_1161 = arith.constant 7 : i32
        %shift_left3A_1162 = arith.shli %shift_right_arithmetic3A_1160, %shift_left3A_1161 : i32
        %multiple_of3A_1163 = tpu.assume_multiple %shift_left3A_1162, 128 : i32
        %dma_start3A_1164 = arith.constant 2 : i32
        %dma_start3A_1165 = arith.constant 0 : i32
        %dma_start3A_1166 = arith.constant 0 : i32
        %dma_start3A_1167 = tpu.memref_slice %arg6[%dma_start3A_1164, %dma_start3A_1165, %dma_start3A_1166] : memref<8x32x128xf32, #tpu.memory_space<vmem>> -> memref<1x32x128xf32, #tpu.memory_space<vmem>>
        %dma_start3A_1168 = tpu.memref_squeeze %dma_start3A_1167 : memref<1x32x128xf32, #tpu.memory_space<vmem>> -> memref<32x128xf32, #tpu.memory_space<vmem>>
        %dma_start3A_1169 = arith.constant 0 : i32
        %dma_start3A_1170 = tpu.memref_slice %arg2[%dma_start3A_1169, %multiple_of3A_1163] : memref<32x1000000xf32, #tpu.memory_space<hbm>> -> memref<32x128xf32, #tpu.memory_space<hbm>>
        %dma_start3A_1171 = arith.constant 0 : i32
        %dma_start3A_1172 = arith.constant 0 : i32
        %dma_start3A_1173 = tpu.memref_slice %arg6[%dma_start3A_1164, %dma_start3A_1171, %dma_start3A_1172] : memref<8x32x128xf32, #tpu.memory_space<vmem>> -> memref<1x32x128xf32, #tpu.memory_space<vmem>>
        %dma_start3A_1174 = tpu.memref_squeeze %dma_start3A_1173 : memref<1x32x128xf32, #tpu.memory_space<vmem>> -> memref<32x128xf32, #tpu.memory_space<vmem>>
        %dma_start3A_1175 = arith.constant 0 : i32
        %dma_start3A_1176 = tpu.memref_slice %arg2[%dma_start3A_1175, %multiple_of3A_1163] : memref<32x1000000xf32, #tpu.memory_space<hbm>> -> memref<32x128xf32, #tpu.memory_space<hbm>>
        tpu.enqueue_dma source(%dma_start3A_1176 : memref<32x128xf32, #tpu.memory_space<hbm>>) target(%dma_start3A_1174 : memref<32x128xf32, #tpu.memory_space<vmem>>) target_semaphore(%arg9 : memref<!tpu.dma_semaphore, #tpu.memory_space<semaphore_mem>>)
        %slice3A_1177 = vector.extract_strided_slice %get3A_1116 {offsets = [3], sizes = [1], strides = [1]} : vector<16xi32> to vector<1xi32>
        %squeeze3A_1178 = vector.extract %slice3A_1177[0] : i32 from vector<1xi32>
        %shift_right_arithmetic3A_1179 = arith.constant 7 : i32
        %shift_right_arithmetic3A_1180 = arith.shrsi %squeeze3A_1178, %shift_right_arithmetic3A_1179 : i32
        %shift_left3A_1181 = arith.constant 7 : i32
        %shift_left3A_1182 = arith.shli %shift_right_arithmetic3A_1180, %shift_left3A_1181 : i32
        %multiple_of3A_1183 = tpu.assume_multiple %shift_left3A_1182, 128 : i32
        %dma_start3A_1184 = arith.constant 3 : i32
        %dma_start3A_1185 = arith.constant 0 : i32
        %dma_start3A_1186 = arith.constant 0 : i32
        %dma_start3A_1187 = tpu.memref_slice %arg6[%dma_start3A_1184, %dma_start3A_1185, %dma_start3A_1186] : memref<8x32x128xf32, #tpu.memory_space<vmem>> -> memref<1x32x128xf32, #tpu.memory_space<vmem>>
        %dma_start3A_1188 = tpu.memref_squeeze %dma_start3A_1187 : memref<1x32x128xf32, #tpu.memory_space<vmem>> -> memref<32x128xf32, #tpu.memory_space<vmem>>
        %dma_start3A_1189 = arith.constant 0 : i32
        %dma_start3A_1190 = tpu.memref_slice %arg2[%dma_start3A_1189, %multiple_of3A_1183] : memref<32x1000000xf32, #tpu.memory_space<hbm>> -> memref<32x128xf32, #tpu.memory_space<hbm>>
        %dma_start3A_1191 = arith.constant 0 : i32
        %dma_start3A_1192 = arith.constant 0 : i32
        %dma_start3A_1193 = tpu.memref_slice %arg6[%dma_start3A_1184, %dma_start3A_1191, %dma_start3A_1192] : memref<8x32x128xf32, #tpu.memory_space<vmem>> -> memref<1x32x128xf32, #tpu.memory_space<vmem>>
        %dma_start3A_1194 = tpu.memref_squeeze %dma_start3A_1193 : memref<1x32x128xf32, #tpu.memory_space<vmem>> -> memref<32x128xf32, #tpu.memory_space<vmem>>
        %dma_start3A_1195 = arith.constant 0 : i32
        %dma_start3A_1196 = tpu.memref_slice %arg2[%dma_start3A_1195, %multiple_of3A_1183] : memref<32x1000000xf32, #tpu.memory_space<hbm>> -> memref<32x128xf32, #tpu.memory_space<hbm>>
        tpu.enqueue_dma source(%dma_start3A_1196 : memref<32x128xf32, #tpu.memory_space<hbm>>) target(%dma_start3A_1194 : memref<32x128xf32, #tpu.memory_space<vmem>>) target_semaphore(%arg9 : memref<!tpu.dma_semaphore, #tpu.memory_space<semaphore_mem>>)
        %slice3A_1197 = vector.extract_strided_slice %get3A_1116 {offsets = [4], sizes = [1], strides = [1]} : vector<16xi32> to vector<1xi32>
        %squeeze3A_1198 = vector.extract %slice3A_1197[0] : i32 from vector<1xi32>
        %shift_right_arithmetic3A_1199 = arith.constant 7 : i32
        %shift_right_arithmetic3A_1200 = arith.shrsi %squeeze3A_1198, %shift_right_arithmetic3A_1199 : i32
        %shift_left3A_1201 = arith.constant 7 : i32
        %shift_left3A_1202 = arith.shli %shift_right_arithmetic3A_1200, %shift_left3A_1201 : i32
        %multiple_of3A_1203 = tpu.assume_multiple %shift_left3A_1202, 128 : i32
        %dma_start3A_1204 = arith.constant 4 : i32
        %dma_start3A_1205 = arith.constant 0 : i32
        %dma_start3A_1206 = arith.constant 0 : i32
        %dma_start3A_1207 = tpu.memref_slice %arg6[%dma_start3A_1204, %dma_start3A_1205, %dma_start3A_1206] : memref<8x32x128xf32, #tpu.memory_space<vmem>> -> memref<1x32x128xf32, #tpu.memory_space<vmem>>
        %dma_start3A_1208 = tpu.memref_squeeze %dma_start3A_1207 : memref<1x32x128xf32, #tpu.memory_space<vmem>> -> memref<32x128xf32, #tpu.memory_space<vmem>>
        %dma_start3A_1209 = arith.constant 0 : i32
        %dma_start3A_1210 = tpu.memref_slice %arg2[%dma_start3A_1209, %multiple_of3A_1203] : memref<32x1000000xf32, #tpu.memory_space<hbm>> -> memref<32x128xf32, #tpu.memory_space<hbm>>
        %dma_start3A_1211 = arith.constant 0 : i32
        %dma_start3A_1212 = arith.constant 0 : i32
        %dma_start3A_1213 = tpu.memref_slice %arg6[%dma_start3A_1204, %dma_start3A_1211, %dma_start3A_1212] : memref<8x32x128xf32, #tpu.memory_space<vmem>> -> memref<1x32x128xf32, #tpu.memory_space<vmem>>
        %dma_start3A_1214 = tpu.memref_squeeze %dma_start3A_1213 : memref<1x32x128xf32, #tpu.memory_space<vmem>> -> memref<32x128xf32, #tpu.memory_space<vmem>>
        %dma_start3A_1215 = arith.constant 0 : i32
        %dma_start3A_1216 = tpu.memref_slice %arg2[%dma_start3A_1215, %multiple_of3A_1203] : memref<32x1000000xf32, #tpu.memory_space<hbm>> -> memref<32x128xf32, #tpu.memory_space<hbm>>
        tpu.enqueue_dma source(%dma_start3A_1216 : memref<32x128xf32, #tpu.memory_space<hbm>>) target(%dma_start3A_1214 : memref<32x128xf32, #tpu.memory_space<vmem>>) target_semaphore(%arg9 : memref<!tpu.dma_semaphore, #tpu.memory_space<semaphore_mem>>)
        %slice3A_1217 = vector.extract_strided_slice %get3A_1116 {offsets = [5], sizes = [1], strides = [1]} : vector<16xi32> to vector<1xi32>
        %squeeze3A_1218 = vector.extract %slice3A_1217[0] : i32 from vector<1xi32>
        %shift_right_arithmetic3A_1219 = arith.constant 7 : i32
        %shift_right_arithmetic3A_1220 = arith.shrsi %squeeze3A_1218, %shift_right_arithmetic3A_1219 : i32
        %shift_left3A_1221 = arith.constant 7 : i32
        %shift_left3A_1222 = arith.shli %shift_right_arithmetic3A_1220, %shift_left3A_1221 : i32
        %multiple_of3A_1223 = tpu.assume_multiple %shift_left3A_1222, 128 : i32
        %dma_start3A_1224 = arith.constant 5 : i32
        %dma_start3A_1225 = arith.constant 0 : i32
        %dma_start3A_1226 = arith.constant 0 : i32
        %dma_start3A_1227 = tpu.memref_slice %arg6[%dma_start3A_1224, %dma_start3A_1225, %dma_start3A_1226] : memref<8x32x128xf32, #tpu.memory_space<vmem>> -> memref<1x32x128xf32, #tpu.memory_space<vmem>>
        %dma_start3A_1228 = tpu.memref_squeeze %dma_start3A_1227 : memref<1x32x128xf32, #tpu.memory_space<vmem>> -> memref<32x128xf32, #tpu.memory_space<vmem>>
        %dma_start3A_1229 = arith.constant 0 : i32
        %dma_start3A_1230 = tpu.memref_slice %arg2[%dma_start3A_1229, %multiple_of3A_1223] : memref<32x1000000xf32, #tpu.memory_space<hbm>> -> memref<32x128xf32, #tpu.memory_space<hbm>>
        %dma_start3A_1231 = arith.constant 0 : i32
        %dma_start3A_1232 = arith.constant 0 : i32
        %dma_start3A_1233 = tpu.memref_slice %arg6[%dma_start3A_1224, %dma_start3A_1231, %dma_start3A_1232] : memref<8x32x128xf32, #tpu.memory_space<vmem>> -> memref<1x32x128xf32, #tpu.memory_space<vmem>>
        %dma_start3A_1234 = tpu.memref_squeeze %dma_start3A_1233 : memref<1x32x128xf32, #tpu.memory_space<vmem>> -> memref<32x128xf32, #tpu.memory_space<vmem>>
        %dma_start3A_1235 = arith.constant 0 : i32
        %dma_start3A_1236 = tpu.memref_slice %arg2[%dma_start3A_1235, %multiple_of3A_1223] : memref<32x1000000xf32, #tpu.memory_space<hbm>> -> memref<32x128xf32, #tpu.memory_space<hbm>>
        tpu.enqueue_dma source(%dma_start3A_1236 : memref<32x128xf32, #tpu.memory_space<hbm>>) target(%dma_start3A_1234 : memref<32x128xf32, #tpu.memory_space<vmem>>) target_semaphore(%arg9 : memref<!tpu.dma_semaphore, #tpu.memory_space<semaphore_mem>>)
        %slice3A_1237 = vector.extract_strided_slice %get3A_1116 {offsets = [6], sizes = [1], strides = [1]} : vector<16xi32> to vector<1xi32>
        %squeeze3A_1238 = vector.extract %slice3A_1237[0] : i32 from vector<1xi32>
        %shift_right_arithmetic3A_1239 = arith.constant 7 : i32
        %shift_right_arithmetic3A_1240 = arith.shrsi %squeeze3A_1238, %shift_right_arithmetic3A_1239 : i32
        %shift_left3A_1241 = arith.constant 7 : i32
        %shift_left3A_1242 = arith.shli %shift_right_arithmetic3A_1240, %shift_left3A_1241 : i32
        %multiple_of3A_1243 = tpu.assume_multiple %shift_left3A_1242, 128 : i32
        %dma_start3A_1244 = arith.constant 6 : i32
        %dma_start3A_1245 = arith.constant 0 : i32
        %dma_start3A_1246 = arith.constant 0 : i32
        %dma_start3A_1247 = tpu.memref_slice %arg6[%dma_start3A_1244, %dma_start3A_1245, %dma_start3A_1246] : memref<8x32x128xf32, #tpu.memory_space<vmem>> -> memref<1x32x128xf32, #tpu.memory_space<vmem>>
        %dma_start3A_1248 = tpu.memref_squeeze %dma_start3A_1247 : memref<1x32x128xf32, #tpu.memory_space<vmem>> -> memref<32x128xf32, #tpu.memory_space<vmem>>
        %dma_start3A_1249 = arith.constant 0 : i32
        %dma_start3A_1250 = tpu.memref_slice %arg2[%dma_start3A_1249, %multiple_of3A_1243] : memref<32x1000000xf32, #tpu.memory_space<hbm>> -> memref<32x128xf32, #tpu.memory_space<hbm>>
        %dma_start3A_1251 = arith.constant 0 : i32
        %dma_start3A_1252 = arith.constant 0 : i32
        %dma_start3A_1253 = tpu.memref_slice %arg6[%dma_start3A_1244, %dma_start3A_1251, %dma_start3A_1252] : memref<8x32x128xf32, #tpu.memory_space<vmem>> -> memref<1x32x128xf32, #tpu.memory_space<vmem>>
        %dma_start3A_1254 = tpu.memref_squeeze %dma_start3A_1253 : memref<1x32x128xf32, #tpu.memory_space<vmem>> -> memref<32x128xf32, #tpu.memory_space<vmem>>
        %dma_start3A_1255 = arith.constant 0 : i32
        %dma_start3A_1256 = tpu.memref_slice %arg2[%dma_start3A_1255, %multiple_of3A_1243] : memref<32x1000000xf32, #tpu.memory_space<hbm>> -> memref<32x128xf32, #tpu.memory_space<hbm>>
        tpu.enqueue_dma source(%dma_start3A_1256 : memref<32x128xf32, #tpu.memory_space<hbm>>) target(%dma_start3A_1254 : memref<32x128xf32, #tpu.memory_space<vmem>>) target_semaphore(%arg9 : memref<!tpu.dma_semaphore, #tpu.memory_space<semaphore_mem>>)
        %slice3A_1257 = vector.extract_strided_slice %get3A_1116 {offsets = [7], sizes = [1], strides = [1]} : vector<16xi32> to vector<1xi32>
        %squeeze3A_1258 = vector.extract %slice3A_1257[0] : i32 from vector<1xi32>
        %shift_right_arithmetic3A_1259 = arith.constant 7 : i32
        %shift_right_arithmetic3A_1260 = arith.shrsi %squeeze3A_1258, %shift_right_arithmetic3A_1259 : i32
        %shift_left3A_1261 = arith.constant 7 : i32
        %shift_left3A_1262 = arith.shli %shift_right_arithmetic3A_1260, %shift_left3A_1261 : i32
        %multiple_of3A_1263 = tpu.assume_multiple %shift_left3A_1262, 128 : i32
        %dma_start3A_1264 = arith.constant 7 : i32
        %dma_start3A_1265 = arith.constant 0 : i32
        %dma_start3A_1266 = arith.constant 0 : i32
        %dma_start3A_1267 = tpu.memref_slice %arg6[%dma_start3A_1264, %dma_start3A_1265, %dma_start3A_1266] : memref<8x32x128xf32, #tpu.memory_space<vmem>> -> memref<1x32x128xf32, #tpu.memory_space<vmem>>
        %dma_start3A_1268 = tpu.memref_squeeze %dma_start3A_1267 : memref<1x32x128xf32, #tpu.memory_space<vmem>> -> memref<32x128xf32, #tpu.memory_space<vmem>>
        %dma_start3A_1269 = arith.constant 0 : i32
        %dma_start3A_1270 = tpu.memref_slice %arg2[%dma_start3A_1269, %multiple_of3A_1263] : memref<32x1000000xf32, #tpu.memory_space<hbm>> -> memref<32x128xf32, #tpu.memory_space<hbm>>
        %dma_start3A_1271 = arith.constant 0 : i32
        %dma_start3A_1272 = arith.constant 0 : i32
        %dma_start3A_1273 = tpu.memref_slice %arg6[%dma_start3A_1264, %dma_start3A_1271, %dma_start3A_1272] : memref<8x32x128xf32, #tpu.memory_space<vmem>> -> memref<1x32x128xf32, #tpu.memory_space<vmem>>
        %dma_start3A_1274 = tpu.memref_squeeze %dma_start3A_1273 : memref<1x32x128xf32, #tpu.memory_space<vmem>> -> memref<32x128xf32, #tpu.memory_space<vmem>>
        %dma_start3A_1275 = arith.constant 0 : i32
        %dma_start3A_1276 = tpu.memref_slice %arg2[%dma_start3A_1275, %multiple_of3A_1263] : memref<32x1000000xf32, #tpu.memory_space<hbm>> -> memref<32x128xf32, #tpu.memory_space<hbm>>
        tpu.enqueue_dma source(%dma_start3A_1276 : memref<32x128xf32, #tpu.memory_space<hbm>>) target(%dma_start3A_1274 : memref<32x128xf32, #tpu.memory_space<vmem>>) target_semaphore(%arg9 : memref<!tpu.dma_semaphore, #tpu.memory_space<semaphore_mem>>)
      } else {
      }
      %dma_wait3A_727 = arith.constant 0 : i32
      %dma_wait3A_728 = arith.constant 0 : i32
      %dma_wait3A_729 = arith.constant 0 : i32
      %dma_wait3A_730 = tpu.memref_slice %arg7[%dma_wait3A_727, %dma_wait3A_728, %dma_wait3A_729] : memref<8x32x128xf32, #tpu.memory_space<vmem>> -> memref<1x32x128xf32, #tpu.memory_space<vmem>>
      %dma_wait3A_731 = tpu.memref_squeeze %dma_wait3A_730 : memref<1x32x128xf32, #tpu.memory_space<vmem>> -> memref<32x128xf32, #tpu.memory_space<vmem>>
      %dma_wait3A_732 = arith.constant 0 : i32
      %dma_wait3A_733 = arith.constant 0 : i32
      %dma_wait3A_734 = tpu.memref_slice %arg2[%dma_wait3A_732, %dma_wait3A_733] : memref<32x1000000xf32, #tpu.memory_space<hbm>> -> memref<32x128xf32, #tpu.memory_space<hbm>>
      %dma_wait3A_735 = arith.constant 0 : i32
      %dma_wait3A_736 = arith.constant 0 : i32
      %dma_wait3A_737 = tpu.memref_slice %arg7[%dma_wait3A_727, %dma_wait3A_735, %dma_wait3A_736] : memref<8x32x128xf32, #tpu.memory_space<vmem>> -> memref<1x32x128xf32, #tpu.memory_space<vmem>>
      %dma_wait3A_738 = tpu.memref_squeeze %dma_wait3A_737 : memref<1x32x128xf32, #tpu.memory_space<vmem>> -> memref<32x128xf32, #tpu.memory_space<vmem>>
      %dma_wait3A_739 = arith.constant 0 : i32
      %dma_wait3A_740 = arith.constant 0 : i32
      %dma_wait3A_741 = tpu.memref_slice %arg2[%dma_wait3A_739, %dma_wait3A_740] : memref<32x1000000xf32, #tpu.memory_space<hbm>> -> memref<32x128xf32, #tpu.memory_space<hbm>>
      tpu.wait_dma2 semaphore(%arg10 : memref<!tpu.dma_semaphore, #tpu.memory_space<semaphore_mem>>) src(%dma_wait3A_741 : memref<32x128xf32, #tpu.memory_space<hbm>>) dst(%dma_wait3A_738 : memref<32x128xf32, #tpu.memory_space<vmem>>)
      %dma_wait3A_742 = arith.constant 1 : i32
      %dma_wait3A_743 = arith.constant 0 : i32
      %dma_wait3A_744 = arith.constant 0 : i32
      %dma_wait3A_745 = tpu.memref_slice %arg7[%dma_wait3A_742, %dma_wait3A_743, %dma_wait3A_744] : memref<8x32x128xf32, #tpu.memory_space<vmem>> -> memref<1x32x128xf32, #tpu.memory_space<vmem>>
      %dma_wait3A_746 = tpu.memref_squeeze %dma_wait3A_745 : memref<1x32x128xf32, #tpu.memory_space<vmem>> -> memref<32x128xf32, #tpu.memory_space<vmem>>
      %dma_wait3A_747 = arith.constant 0 : i32
      %dma_wait3A_748 = arith.constant 0 : i32
      %dma_wait3A_749 = tpu.memref_slice %arg2[%dma_wait3A_747, %dma_wait3A_748] : memref<32x1000000xf32, #tpu.memory_space<hbm>> -> memref<32x128xf32, #tpu.memory_space<hbm>>
      %dma_wait3A_750 = arith.constant 0 : i32
      %dma_wait3A_751 = arith.constant 0 : i32
      %dma_wait3A_752 = tpu.memref_slice %arg7[%dma_wait3A_742, %dma_wait3A_750, %dma_wait3A_751] : memref<8x32x128xf32, #tpu.memory_space<vmem>> -> memref<1x32x128xf32, #tpu.memory_space<vmem>>
      %dma_wait3A_753 = tpu.memref_squeeze %dma_wait3A_752 : memref<1x32x128xf32, #tpu.memory_space<vmem>> -> memref<32x128xf32, #tpu.memory_space<vmem>>
      %dma_wait3A_754 = arith.constant 0 : i32
      %dma_wait3A_755 = arith.constant 0 : i32
      %dma_wait3A_756 = tpu.memref_slice %arg2[%dma_wait3A_754, %dma_wait3A_755] : memref<32x1000000xf32, #tpu.memory_space<hbm>> -> memref<32x128xf32, #tpu.memory_space<hbm>>
      tpu.wait_dma2 semaphore(%arg10 : memref<!tpu.dma_semaphore, #tpu.memory_space<semaphore_mem>>) src(%dma_wait3A_756 : memref<32x128xf32, #tpu.memory_space<hbm>>) dst(%dma_wait3A_753 : memref<32x128xf32, #tpu.memory_space<vmem>>)
      %dma_wait3A_757 = arith.constant 2 : i32
      %dma_wait3A_758 = arith.constant 0 : i32
      %dma_wait3A_759 = arith.constant 0 : i32
      %dma_wait3A_760 = tpu.memref_slice %arg7[%dma_wait3A_757, %dma_wait3A_758, %dma_wait3A_759] : memref<8x32x128xf32, #tpu.memory_space<vmem>> -> memref<1x32x128xf32, #tpu.memory_space<vmem>>
      %dma_wait3A_761 = tpu.memref_squeeze %dma_wait3A_760 : memref<1x32x128xf32, #tpu.memory_space<vmem>> -> memref<32x128xf32, #tpu.memory_space<vmem>>
      %dma_wait3A_762 = arith.constant 0 : i32
      %dma_wait3A_763 = arith.constant 0 : i32
      %dma_wait3A_764 = tpu.memref_slice %arg2[%dma_wait3A_762, %dma_wait3A_763] : memref<32x1000000xf32, #tpu.memory_space<hbm>> -> memref<32x128xf32, #tpu.memory_space<hbm>>
      %dma_wait3A_765 = arith.constant 0 : i32
      %dma_wait3A_766 = arith.constant 0 : i32
      %dma_wait3A_767 = tpu.memref_slice %arg7[%dma_wait3A_757, %dma_wait3A_765, %dma_wait3A_766] : memref<8x32x128xf32, #tpu.memory_space<vmem>> -> memref<1x32x128xf32, #tpu.memory_space<vmem>>
      %dma_wait3A_768 = tpu.memref_squeeze %dma_wait3A_767 : memref<1x32x128xf32, #tpu.memory_space<vmem>> -> memref<32x128xf32, #tpu.memory_space<vmem>>
      %dma_wait3A_769 = arith.constant 0 : i32
      %dma_wait3A_770 = arith.constant 0 : i32
      %dma_wait3A_771 = tpu.memref_slice %arg2[%dma_wait3A_769, %dma_wait3A_770] : memref<32x1000000xf32, #tpu.memory_space<hbm>> -> memref<32x128xf32, #tpu.memory_space<hbm>>
      tpu.wait_dma2 semaphore(%arg10 : memref<!tpu.dma_semaphore, #tpu.memory_space<semaphore_mem>>) src(%dma_wait3A_771 : memref<32x128xf32, #tpu.memory_space<hbm>>) dst(%dma_wait3A_768 : memref<32x128xf32, #tpu.memory_space<vmem>>)
      %dma_wait3A_772 = arith.constant 3 : i32
      %dma_wait3A_773 = arith.constant 0 : i32
      %dma_wait3A_774 = arith.constant 0 : i32
      %dma_wait3A_775 = tpu.memref_slice %arg7[%dma_wait3A_772, %dma_wait3A_773, %dma_wait3A_774] : memref<8x32x128xf32, #tpu.memory_space<vmem>> -> memref<1x32x128xf32, #tpu.memory_space<vmem>>
      %dma_wait3A_776 = tpu.memref_squeeze %dma_wait3A_775 : memref<1x32x128xf32, #tpu.memory_space<vmem>> -> memref<32x128xf32, #tpu.memory_space<vmem>>
      %dma_wait3A_777 = arith.constant 0 : i32
      %dma_wait3A_778 = arith.constant 0 : i32
      %dma_wait3A_779 = tpu.memref_slice %arg2[%dma_wait3A_777, %dma_wait3A_778] : memref<32x1000000xf32, #tpu.memory_space<hbm>> -> memref<32x128xf32, #tpu.memory_space<hbm>>
      %dma_wait3A_780 = arith.constant 0 : i32
      %dma_wait3A_781 = arith.constant 0 : i32
      %dma_wait3A_782 = tpu.memref_slice %arg7[%dma_wait3A_772, %dma_wait3A_780, %dma_wait3A_781] : memref<8x32x128xf32, #tpu.memory_space<vmem>> -> memref<1x32x128xf32, #tpu.memory_space<vmem>>
      %dma_wait3A_783 = tpu.memref_squeeze %dma_wait3A_782 : memref<1x32x128xf32, #tpu.memory_space<vmem>> -> memref<32x128xf32, #tpu.memory_space<vmem>>
      %dma_wait3A_784 = arith.constant 0 : i32
      %dma_wait3A_785 = arith.constant 0 : i32
      %dma_wait3A_786 = tpu.memref_slice %arg2[%dma_wait3A_784, %dma_wait3A_785] : memref<32x1000000xf32, #tpu.memory_space<hbm>> -> memref<32x128xf32, #tpu.memory_space<hbm>>
      tpu.wait_dma2 semaphore(%arg10 : memref<!tpu.dma_semaphore, #tpu.memory_space<semaphore_mem>>) src(%dma_wait3A_786 : memref<32x128xf32, #tpu.memory_space<hbm>>) dst(%dma_wait3A_783 : memref<32x128xf32, #tpu.memory_space<vmem>>)
      %dma_wait3A_787 = arith.constant 4 : i32
      %dma_wait3A_788 = arith.constant 0 : i32
      %dma_wait3A_789 = arith.constant 0 : i32
      %dma_wait3A_790 = tpu.memref_slice %arg7[%dma_wait3A_787, %dma_wait3A_788, %dma_wait3A_789] : memref<8x32x128xf32, #tpu.memory_space<vmem>> -> memref<1x32x128xf32, #tpu.memory_space<vmem>>
      %dma_wait3A_791 = tpu.memref_squeeze %dma_wait3A_790 : memref<1x32x128xf32, #tpu.memory_space<vmem>> -> memref<32x128xf32, #tpu.memory_space<vmem>>
      %dma_wait3A_792 = arith.constant 0 : i32
      %dma_wait3A_793 = arith.constant 0 : i32
      %dma_wait3A_794 = tpu.memref_slice %arg2[%dma_wait3A_792, %dma_wait3A_793] : memref<32x1000000xf32, #tpu.memory_space<hbm>> -> memref<32x128xf32, #tpu.memory_space<hbm>>
      %dma_wait3A_795 = arith.constant 0 : i32
      %dma_wait3A_796 = arith.constant 0 : i32
      %dma_wait3A_797 = tpu.memref_slice %arg7[%dma_wait3A_787, %dma_wait3A_795, %dma_wait3A_796] : memref<8x32x128xf32, #tpu.memory_space<vmem>> -> memref<1x32x128xf32, #tpu.memory_space<vmem>>
      %dma_wait3A_798 = tpu.memref_squeeze %dma_wait3A_797 : memref<1x32x128xf32, #tpu.memory_space<vmem>> -> memref<32x128xf32, #tpu.memory_space<vmem>>
      %dma_wait3A_799 = arith.constant 0 : i32
      %dma_wait3A_800 = arith.constant 0 : i32
      %dma_wait3A_801 = tpu.memref_slice %arg2[%dma_wait3A_799, %dma_wait3A_800] : memref<32x1000000xf32, #tpu.memory_space<hbm>> -> memref<32x128xf32, #tpu.memory_space<hbm>>
      tpu.wait_dma2 semaphore(%arg10 : memref<!tpu.dma_semaphore, #tpu.memory_space<semaphore_mem>>) src(%dma_wait3A_801 : memref<32x128xf32, #tpu.memory_space<hbm>>) dst(%dma_wait3A_798 : memref<32x128xf32, #tpu.memory_space<vmem>>)
      %dma_wait3A_802 = arith.constant 5 : i32
      %dma_wait3A_803 = arith.constant 0 : i32
      %dma_wait3A_804 = arith.constant 0 : i32
      %dma_wait3A_805 = tpu.memref_slice %arg7[%dma_wait3A_802, %dma_wait3A_803, %dma_wait3A_804] : memref<8x32x128xf32, #tpu.memory_space<vmem>> -> memref<1x32x128xf32, #tpu.memory_space<vmem>>
      %dma_wait3A_806 = tpu.memref_squeeze %dma_wait3A_805 : memref<1x32x128xf32, #tpu.memory_space<vmem>> -> memref<32x128xf32, #tpu.memory_space<vmem>>
      %dma_wait3A_807 = arith.constant 0 : i32
      %dma_wait3A_808 = arith.constant 0 : i32
      %dma_wait3A_809 = tpu.memref_slice %arg2[%dma_wait3A_807, %dma_wait3A_808] : memref<32x1000000xf32, #tpu.memory_space<hbm>> -> memref<32x128xf32, #tpu.memory_space<hbm>>
      %dma_wait3A_810 = arith.constant 0 : i32
      %dma_wait3A_811 = arith.constant 0 : i32
      %dma_wait3A_812 = tpu.memref_slice %arg7[%dma_wait3A_802, %dma_wait3A_810, %dma_wait3A_811] : memref<8x32x128xf32, #tpu.memory_space<vmem>> -> memref<1x32x128xf32, #tpu.memory_space<vmem>>
      %dma_wait3A_813 = tpu.memref_squeeze %dma_wait3A_812 : memref<1x32x128xf32, #tpu.memory_space<vmem>> -> memref<32x128xf32, #tpu.memory_space<vmem>>
      %dma_wait3A_814 = arith.constant 0 : i32
      %dma_wait3A_815 = arith.constant 0 : i32
      %dma_wait3A_816 = tpu.memref_slice %arg2[%dma_wait3A_814, %dma_wait3A_815] : memref<32x1000000xf32, #tpu.memory_space<hbm>> -> memref<32x128xf32, #tpu.memory_space<hbm>>
      tpu.wait_dma2 semaphore(%arg10 : memref<!tpu.dma_semaphore, #tpu.memory_space<semaphore_mem>>) src(%dma_wait3A_816 : memref<32x128xf32, #tpu.memory_space<hbm>>) dst(%dma_wait3A_813 : memref<32x128xf32, #tpu.memory_space<vmem>>)
      %dma_wait3A_817 = arith.constant 6 : i32
      %dma_wait3A_818 = arith.constant 0 : i32
      %dma_wait3A_819 = arith.constant 0 : i32
      %dma_wait3A_820 = tpu.memref_slice %arg7[%dma_wait3A_817, %dma_wait3A_818, %dma_wait3A_819] : memref<8x32x128xf32, #tpu.memory_space<vmem>> -> memref<1x32x128xf32, #tpu.memory_space<vmem>>
      %dma_wait3A_821 = tpu.memref_squeeze %dma_wait3A_820 : memref<1x32x128xf32, #tpu.memory_space<vmem>> -> memref<32x128xf32, #tpu.memory_space<vmem>>
      %dma_wait3A_822 = arith.constant 0 : i32
      %dma_wait3A_823 = arith.constant 0 : i32
      %dma_wait3A_824 = tpu.memref_slice %arg2[%dma_wait3A_822, %dma_wait3A_823] : memref<32x1000000xf32, #tpu.memory_space<hbm>> -> memref<32x128xf32, #tpu.memory_space<hbm>>
      %dma_wait3A_825 = arith.constant 0 : i32
      %dma_wait3A_826 = arith.constant 0 : i32
      %dma_wait3A_827 = tpu.memref_slice %arg7[%dma_wait3A_817, %dma_wait3A_825, %dma_wait3A_826] : memref<8x32x128xf32, #tpu.memory_space<vmem>> -> memref<1x32x128xf32, #tpu.memory_space<vmem>>
      %dma_wait3A_828 = tpu.memref_squeeze %dma_wait3A_827 : memref<1x32x128xf32, #tpu.memory_space<vmem>> -> memref<32x128xf32, #tpu.memory_space<vmem>>
      %dma_wait3A_829 = arith.constant 0 : i32
      %dma_wait3A_830 = arith.constant 0 : i32
      %dma_wait3A_831 = tpu.memref_slice %arg2[%dma_wait3A_829, %dma_wait3A_830] : memref<32x1000000xf32, #tpu.memory_space<hbm>> -> memref<32x128xf32, #tpu.memory_space<hbm>>
      tpu.wait_dma2 semaphore(%arg10 : memref<!tpu.dma_semaphore, #tpu.memory_space<semaphore_mem>>) src(%dma_wait3A_831 : memref<32x128xf32, #tpu.memory_space<hbm>>) dst(%dma_wait3A_828 : memref<32x128xf32, #tpu.memory_space<vmem>>)
      %dma_wait3A_832 = arith.constant 7 : i32
      %dma_wait3A_833 = arith.constant 0 : i32
      %dma_wait3A_834 = arith.constant 0 : i32
      %dma_wait3A_835 = tpu.memref_slice %arg7[%dma_wait3A_832, %dma_wait3A_833, %dma_wait3A_834] : memref<8x32x128xf32, #tpu.memory_space<vmem>> -> memref<1x32x128xf32, #tpu.memory_space<vmem>>
      %dma_wait3A_836 = tpu.memref_squeeze %dma_wait3A_835 : memref<1x32x128xf32, #tpu.memory_space<vmem>> -> memref<32x128xf32, #tpu.memory_space<vmem>>
      %dma_wait3A_837 = arith.constant 0 : i32
      %dma_wait3A_838 = arith.constant 0 : i32
      %dma_wait3A_839 = tpu.memref_slice %arg2[%dma_wait3A_837, %dma_wait3A_838] : memref<32x1000000xf32, #tpu.memory_space<hbm>> -> memref<32x128xf32, #tpu.memory_space<hbm>>
      %dma_wait3A_840 = arith.constant 0 : i32
      %dma_wait3A_841 = arith.constant 0 : i32
      %dma_wait3A_842 = tpu.memref_slice %arg7[%dma_wait3A_832, %dma_wait3A_840, %dma_wait3A_841] : memref<8x32x128xf32, #tpu.memory_space<vmem>> -> memref<1x32x128xf32, #tpu.memory_space<vmem>>
      %dma_wait3A_843 = tpu.memref_squeeze %dma_wait3A_842 : memref<1x32x128xf32, #tpu.memory_space<vmem>> -> memref<32x128xf32, #tpu.memory_space<vmem>>
      %dma_wait3A_844 = arith.constant 0 : i32
      %dma_wait3A_845 = arith.constant 0 : i32
      %dma_wait3A_846 = tpu.memref_slice %arg2[%dma_wait3A_844, %dma_wait3A_845] : memref<32x1000000xf32, #tpu.memory_space<hbm>> -> memref<32x128xf32, #tpu.memory_space<hbm>>
      tpu.wait_dma2 semaphore(%arg10 : memref<!tpu.dma_semaphore, #tpu.memory_space<semaphore_mem>>) src(%dma_wait3A_846 : memref<32x128xf32, #tpu.memory_space<hbm>>) dst(%dma_wait3A_843 : memref<32x128xf32, #tpu.memory_space<vmem>>)
      %mul3A_847 = arith.constant 2 : i32
      %mul3A_848 = arith.muli %add3A_177, %mul3A_847 : i32
      %mul3A_849 = arith.constant 8 : i32
      %mul3A_850 = arith.muli %mul3A_848, %mul3A_849 : i32
      %get3A_851 = arith.index_cast %mul3A_850 : i32 to index
      %get3A_852 = tpu.vector_load %arg5[%get3A_851] {strides = array<i32>} : memref<512xi32, #tpu.memory_space<vmem>>, vector<16xi32>,
      %slice3A_853 = vector.extract_strided_slice %get3A_852 {offsets = [8], sizes = [1], strides = [1]} : vector<16xi32> to vector<1xi32>
      %squeeze3A_854 = vector.extract %slice3A_853[0] : i32 from vector<1xi32>
      %and3A_855 = arith.constant 127 : i32
      %and3A_856 = arith.andi %squeeze3A_854, %and3A_855 : i32
      %broadcast_in_dim3A_857 = vector.broadcast %and3A_856 : i32 to vector<16xi32>
      %mul3A_858 = arith.constant 2 : i32
      %mul3A_859 = arith.muli %add3A_177, %mul3A_858 : i32
      %mul3A_860 = arith.constant 8 : i32
      %mul3A_861 = arith.muli %mul3A_859, %mul3A_860 : i32
      %add3A_862 = arith.constant 8 : i32
      %add3A_863 = arith.addi %mul3A_861, %add3A_862 : i32
      %add3A_864 = arith.constant 0 : i32
      %add3A_865 = arith.addi %add3A_863, %add3A_864 : i32
      %broadcast_in_dim3A_866 = vector.broadcast %add3A_865 : i32 to vector<16xi32>
      %gather3A_867 = arith.constant 0 : i32
      %gather3A_868 = arith.constant 0 : i32
      %gather3A_869 = arith.constant 0 : i32
      %gather3A_870 = tpu.memref_slice %arg7[%gather3A_867, %gather3A_868, %gather3A_869] : memref<8x32x128xf32, #tpu.memory_space<vmem>> -> memref<1x32x128xf32, #tpu.memory_space<vmem>>
      %gather3A_871 = tpu.memref_squeeze %gather3A_870 : memref<1x32x128xf32, #tpu.memory_space<vmem>> -> memref<32x128xf32, #tpu.memory_space<vmem>>
      %gather3A_872 = tpu.vector_load_idx %gather3A_871[%iota3A, %broadcast_in_dim3A_857] : memref<32x128xf32, #tpu.memory_space<vmem>>[vector<16xi32>, vector<16xi32>], vector<16xf32>,
      %add3A_873 = arith.constant 16 : i32
      %add3A_874 = vector.broadcast %add3A_873 : i32 to vector<16xi32>
      %add3A_875 = arith.addi %iota3A, %add3A_874 : vector<16xi32>
      %gather3A_876 = arith.constant 0 : i32
      %gather3A_877 = arith.constant 0 : i32
      %gather3A_878 = arith.constant 0 : i32
      %gather3A_879 = tpu.memref_slice %arg7[%gather3A_876, %gather3A_877, %gather3A_878] : memref<8x32x128xf32, #tpu.memory_space<vmem>> -> memref<1x32x128xf32, #tpu.memory_space<vmem>>
      %gather3A_880 = tpu.memref_squeeze %gather3A_879 : memref<1x32x128xf32, #tpu.memory_space<vmem>> -> memref<32x128xf32, #tpu.memory_space<vmem>>
      %gather3A_881 = tpu.vector_load_idx %gather3A_880[%add3A_875, %broadcast_in_dim3A_857] : memref<32x128xf32, #tpu.memory_space<vmem>>[vector<16xi32>, vector<16xi32>], vector<16xf32>,
      tpu.vector_store_idx %arg8[%iota3A, %broadcast_in_dim3A_866], %gather3A_872 : memref<32x512xf32, #tpu.memory_space<vmem>>[vector<16xi32>, vector<16xi32>], vector<16xf32>,
      %add3A_882 = arith.constant 16 : i32
      %add3A_883 = vector.broadcast %add3A_882 : i32 to vector<16xi32>
      %add3A_884 = arith.addi %iota3A, %add3A_883 : vector<16xi32>
      tpu.vector_store_idx %arg8[%add3A_884, %broadcast_in_dim3A_866], %gather3A_881 : memref<32x512xf32, #tpu.memory_space<vmem>>[vector<16xi32>, vector<16xi32>], vector<16xf32>,
      %slice3A_885 = vector.extract_strided_slice %get3A_852 {offsets = [9], sizes = [1], strides = [1]} : vector<16xi32> to vector<1xi32>
      %squeeze3A_886 = vector.extract %slice3A_885[0] : i32 from vector<1xi32>
      %and3A_887 = arith.constant 127 : i32
      %and3A_888 = arith.andi %squeeze3A_886, %and3A_887 : i32
      %broadcast_in_dim3A_889 = vector.broadcast %and3A_888 : i32 to vector<16xi32>
      %mul3A_890 = arith.constant 2 : i32
      %mul3A_891 = arith.muli %add3A_177, %mul3A_890 : i32
      %mul3A_892 = arith.constant 8 : i32
      %mul3A_893 = arith.muli %mul3A_891, %mul3A_892 : i32
      %add3A_894 = arith.constant 8 : i32
      %add3A_895 = arith.addi %mul3A_893, %add3A_894 : i32
      %add3A_896 = arith.constant 1 : i32
      %add3A_897 = arith.addi %add3A_895, %add3A_896 : i32
      %broadcast_in_dim3A_898 = vector.broadcast %add3A_897 : i32 to vector<16xi32>
      %gather3A_899 = arith.constant 1 : i32
      %gather3A_900 = arith.constant 0 : i32
      %gather3A_901 = arith.constant 0 : i32
      %gather3A_902 = tpu.memref_slice %arg7[%gather3A_899, %gather3A_900, %gather3A_901] : memref<8x32x128xf32, #tpu.memory_space<vmem>> -> memref<1x32x128xf32, #tpu.memory_space<vmem>>
      %gather3A_903 = tpu.memref_squeeze %gather3A_902 : memref<1x32x128xf32, #tpu.memory_space<vmem>> -> memref<32x128xf32, #tpu.memory_space<vmem>>
      %gather3A_904 = tpu.vector_load_idx %gather3A_903[%iota3A, %broadcast_in_dim3A_889] : memref<32x128xf32, #tpu.memory_space<vmem>>[vector<16xi32>, vector<16xi32>], vector<16xf32>,
      %add3A_905 = arith.constant 16 : i32
      %add3A_906 = vector.broadcast %add3A_905 : i32 to vector<16xi32>
      %add3A_907 = arith.addi %iota3A, %add3A_906 : vector<16xi32>
      %gather3A_908 = arith.constant 1 : i32
      %gather3A_909 = arith.constant 0 : i32
      %gather3A_910 = arith.constant 0 : i32
      %gather3A_911 = tpu.memref_slice %arg7[%gather3A_908, %gather3A_909, %gather3A_910] : memref<8x32x128xf32, #tpu.memory_space<vmem>> -> memref<1x32x128xf32, #tpu.memory_space<vmem>>
      %gather3A_912 = tpu.memref_squeeze %gather3A_911 : memref<1x32x128xf32, #tpu.memory_space<vmem>> -> memref<32x128xf32, #tpu.memory_space<vmem>>
      %gather3A_913 = tpu.vector_load_idx %gather3A_912[%add3A_907, %broadcast_in_dim3A_889] : memref<32x128xf32, #tpu.memory_space<vmem>>[vector<16xi32>, vector<16xi32>], vector<16xf32>,
      tpu.vector_store_idx %arg8[%iota3A, %broadcast_in_dim3A_898], %gather3A_904 : memref<32x512xf32, #tpu.memory_space<vmem>>[vector<16xi32>, vector<16xi32>], vector<16xf32>,
      %add3A_914 = arith.constant 16 : i32
      %add3A_915 = vector.broadcast %add3A_914 : i32 to vector<16xi32>
      %add3A_916 = arith.addi %iota3A, %add3A_915 : vector<16xi32>
      tpu.vector_store_idx %arg8[%add3A_916, %broadcast_in_dim3A_898], %gather3A_913 : memref<32x512xf32, #tpu.memory_space<vmem>>[vector<16xi32>, vector<16xi32>], vector<16xf32>,
      %slice3A_917 = vector.extract_strided_slice %get3A_852 {offsets = [10], sizes = [1], strides = [1]} : vector<16xi32> to vector<1xi32>
      %squeeze3A_918 = vector.extract %slice3A_917[0] : i32 from vector<1xi32>
      %and3A_919 = arith.constant 127 : i32
      %and3A_920 = arith.andi %squeeze3A_918, %and3A_919 : i32
      %broadcast_in_dim3A_921 = vector.broadcast %and3A_920 : i32 to vector<16xi32>
      %mul3A_922 = arith.constant 2 : i32
      %mul3A_923 = arith.muli %add3A_177, %mul3A_922 : i32
      %mul3A_924 = arith.constant 8 : i32
      %mul3A_925 = arith.muli %mul3A_923, %mul3A_924 : i32
      %add3A_926 = arith.constant 8 : i32
      %add3A_927 = arith.addi %mul3A_925, %add3A_926 : i32
      %add3A_928 = arith.constant 2 : i32
      %add3A_929 = arith.addi %add3A_927, %add3A_928 : i32
      %broadcast_in_dim3A_930 = vector.broadcast %add3A_929 : i32 to vector<16xi32>
      %gather3A_931 = arith.constant 2 : i32
      %gather3A_932 = arith.constant 0 : i32
      %gather3A_933 = arith.constant 0 : i32
      %gather3A_934 = tpu.memref_slice %arg7[%gather3A_931, %gather3A_932, %gather3A_933] : memref<8x32x128xf32, #tpu.memory_space<vmem>> -> memref<1x32x128xf32, #tpu.memory_space<vmem>>
      %gather3A_935 = tpu.memref_squeeze %gather3A_934 : memref<1x32x128xf32, #tpu.memory_space<vmem>> -> memref<32x128xf32, #tpu.memory_space<vmem>>
      %gather3A_936 = tpu.vector_load_idx %gather3A_935[%iota3A, %broadcast_in_dim3A_921] : memref<32x128xf32, #tpu.memory_space<vmem>>[vector<16xi32>, vector<16xi32>], vector<16xf32>,
      %add3A_937 = arith.constant 16 : i32
      %add3A_938 = vector.broadcast %add3A_937 : i32 to vector<16xi32>
      %add3A_939 = arith.addi %iota3A, %add3A_938 : vector<16xi32>
      %gather3A_940 = arith.constant 2 : i32
      %gather3A_941 = arith.constant 0 : i32
      %gather3A_942 = arith.constant 0 : i32
      %gather3A_943 = tpu.memref_slice %arg7[%gather3A_940, %gather3A_941, %gather3A_942] : memref<8x32x128xf32, #tpu.memory_space<vmem>> -> memref<1x32x128xf32, #tpu.memory_space<vmem>>
      %gather3A_944 = tpu.memref_squeeze %gather3A_943 : memref<1x32x128xf32, #tpu.memory_space<vmem>> -> memref<32x128xf32, #tpu.memory_space<vmem>>
      %gather3A_945 = tpu.vector_load_idx %gather3A_944[%add3A_939, %broadcast_in_dim3A_921] : memref<32x128xf32, #tpu.memory_space<vmem>>[vector<16xi32>, vector<16xi32>], vector<16xf32>,
      tpu.vector_store_idx %arg8[%iota3A, %broadcast_in_dim3A_930], %gather3A_936 : memref<32x512xf32, #tpu.memory_space<vmem>>[vector<16xi32>, vector<16xi32>], vector<16xf32>,
      %add3A_946 = arith.constant 16 : i32
      %add3A_947 = vector.broadcast %add3A_946 : i32 to vector<16xi32>
      %add3A_948 = arith.addi %iota3A, %add3A_947 : vector<16xi32>
      tpu.vector_store_idx %arg8[%add3A_948, %broadcast_in_dim3A_930], %gather3A_945 : memref<32x512xf32, #tpu.memory_space<vmem>>[vector<16xi32>, vector<16xi32>], vector<16xf32>,
      %slice3A_949 = vector.extract_strided_slice %get3A_852 {offsets = [11], sizes = [1], strides = [1]} : vector<16xi32> to vector<1xi32>
      %squeeze3A_950 = vector.extract %slice3A_949[0] : i32 from vector<1xi32>
      %and3A_951 = arith.constant 127 : i32
      %and3A_952 = arith.andi %squeeze3A_950, %and3A_951 : i32
      %broadcast_in_dim3A_953 = vector.broadcast %and3A_952 : i32 to vector<16xi32>
      %mul3A_954 = arith.constant 2 : i32
      %mul3A_955 = arith.muli %add3A_177, %mul3A_954 : i32
      %mul3A_956 = arith.constant 8 : i32
      %mul3A_957 = arith.muli %mul3A_955, %mul3A_956 : i32
      %add3A_958 = arith.constant 8 : i32
      %add3A_959 = arith.addi %mul3A_957, %add3A_958 : i32
      %add3A_960 = arith.constant 3 : i32
      %add3A_961 = arith.addi %add3A_959, %add3A_960 : i32
      %broadcast_in_dim3A_962 = vector.broadcast %add3A_961 : i32 to vector<16xi32>
      %gather3A_963 = arith.constant 3 : i32
      %gather3A_964 = arith.constant 0 : i32
      %gather3A_965 = arith.constant 0 : i32
      %gather3A_966 = tpu.memref_slice %arg7[%gather3A_963, %gather3A_964, %gather3A_965] : memref<8x32x128xf32, #tpu.memory_space<vmem>> -> memref<1x32x128xf32, #tpu.memory_space<vmem>>
      %gather3A_967 = tpu.memref_squeeze %gather3A_966 : memref<1x32x128xf32, #tpu.memory_space<vmem>> -> memref<32x128xf32, #tpu.memory_space<vmem>>
      %gather3A_968 = tpu.vector_load_idx %gather3A_967[%iota3A, %broadcast_in_dim3A_953] : memref<32x128xf32, #tpu.memory_space<vmem>>[vector<16xi32>, vector<16xi32>], vector<16xf32>,
      %add3A_969 = arith.constant 16 : i32
      %add3A_970 = vector.broadcast %add3A_969 : i32 to vector<16xi32>
      %add3A_971 = arith.addi %iota3A, %add3A_970 : vector<16xi32>
      %gather3A_972 = arith.constant 3 : i32
      %gather3A_973 = arith.constant 0 : i32
      %gather3A_974 = arith.constant 0 : i32
      %gather3A_975 = tpu.memref_slice %arg7[%gather3A_972, %gather3A_973, %gather3A_974] : memref<8x32x128xf32, #tpu.memory_space<vmem>> -> memref<1x32x128xf32, #tpu.memory_space<vmem>>
      %gather3A_976 = tpu.memref_squeeze %gather3A_975 : memref<1x32x128xf32, #tpu.memory_space<vmem>> -> memref<32x128xf32, #tpu.memory_space<vmem>>
      %gather3A_977 = tpu.vector_load_idx %gather3A_976[%add3A_971, %broadcast_in_dim3A_953] : memref<32x128xf32, #tpu.memory_space<vmem>>[vector<16xi32>, vector<16xi32>], vector<16xf32>,
      tpu.vector_store_idx %arg8[%iota3A, %broadcast_in_dim3A_962], %gather3A_968 : memref<32x512xf32, #tpu.memory_space<vmem>>[vector<16xi32>, vector<16xi32>], vector<16xf32>,
      %add3A_978 = arith.constant 16 : i32
      %add3A_979 = vector.broadcast %add3A_978 : i32 to vector<16xi32>
      %add3A_980 = arith.addi %iota3A, %add3A_979 : vector<16xi32>
      tpu.vector_store_idx %arg8[%add3A_980, %broadcast_in_dim3A_962], %gather3A_977 : memref<32x512xf32, #tpu.memory_space<vmem>>[vector<16xi32>, vector<16xi32>], vector<16xf32>,
      %slice3A_981 = vector.extract_strided_slice %get3A_852 {offsets = [12], sizes = [1], strides = [1]} : vector<16xi32> to vector<1xi32>
      %squeeze3A_982 = vector.extract %slice3A_981[0] : i32 from vector<1xi32>
      %and3A_983 = arith.constant 127 : i32
      %and3A_984 = arith.andi %squeeze3A_982, %and3A_983 : i32
      %broadcast_in_dim3A_985 = vector.broadcast %and3A_984 : i32 to vector<16xi32>
      %mul3A_986 = arith.constant 2 : i32
      %mul3A_987 = arith.muli %add3A_177, %mul3A_986 : i32
      %mul3A_988 = arith.constant 8 : i32
      %mul3A_989 = arith.muli %mul3A_987, %mul3A_988 : i32
      %add3A_990 = arith.constant 8 : i32
      %add3A_991 = arith.addi %mul3A_989, %add3A_990 : i32
      %add3A_992 = arith.constant 4 : i32
      %add3A_993 = arith.addi %add3A_991, %add3A_992 : i32
      %broadcast_in_dim3A_994 = vector.broadcast %add3A_993 : i32 to vector<16xi32>
      %gather3A_995 = arith.constant 4 : i32
      %gather3A_996 = arith.constant 0 : i32
      %gather3A_997 = arith.constant 0 : i32
      %gather3A_998 = tpu.memref_slice %arg7[%gather3A_995, %gather3A_996, %gather3A_997] : memref<8x32x128xf32, #tpu.memory_space<vmem>> -> memref<1x32x128xf32, #tpu.memory_space<vmem>>
      %gather3A_999 = tpu.memref_squeeze %gather3A_998 : memref<1x32x128xf32, #tpu.memory_space<vmem>> -> memref<32x128xf32, #tpu.memory_space<vmem>>
      %gather3A_1000 = tpu.vector_load_idx %gather3A_999[%iota3A, %broadcast_in_dim3A_985] : memref<32x128xf32, #tpu.memory_space<vmem>>[vector<16xi32>, vector<16xi32>], vector<16xf32>,
      %add3A_1001 = arith.constant 16 : i32
      %add3A_1002 = vector.broadcast %add3A_1001 : i32 to vector<16xi32>
      %add3A_1003 = arith.addi %iota3A, %add3A_1002 : vector<16xi32>
      %gather3A_1004 = arith.constant 4 : i32
      %gather3A_1005 = arith.constant 0 : i32
      %gather3A_1006 = arith.constant 0 : i32
      %gather3A_1007 = tpu.memref_slice %arg7[%gather3A_1004, %gather3A_1005, %gather3A_1006] : memref<8x32x128xf32, #tpu.memory_space<vmem>> -> memref<1x32x128xf32, #tpu.memory_space<vmem>>
      %gather3A_1008 = tpu.memref_squeeze %gather3A_1007 : memref<1x32x128xf32, #tpu.memory_space<vmem>> -> memref<32x128xf32, #tpu.memory_space<vmem>>
      %gather3A_1009 = tpu.vector_load_idx %gather3A_1008[%add3A_1003, %broadcast_in_dim3A_985] : memref<32x128xf32, #tpu.memory_space<vmem>>[vector<16xi32>, vector<16xi32>], vector<16xf32>,
      tpu.vector_store_idx %arg8[%iota3A, %broadcast_in_dim3A_994], %gather3A_1000 : memref<32x512xf32, #tpu.memory_space<vmem>>[vector<16xi32>, vector<16xi32>], vector<16xf32>,
      %add3A_1010 = arith.constant 16 : i32
      %add3A_1011 = vector.broadcast %add3A_1010 : i32 to vector<16xi32>
      %add3A_1012 = arith.addi %iota3A, %add3A_1011 : vector<16xi32>
      tpu.vector_store_idx %arg8[%add3A_1012, %broadcast_in_dim3A_994], %gather3A_1009 : memref<32x512xf32, #tpu.memory_space<vmem>>[vector<16xi32>, vector<16xi32>], vector<16xf32>,
      %slice3A_1013 = vector.extract_strided_slice %get3A_852 {offsets = [13], sizes = [1], strides = [1]} : vector<16xi32> to vector<1xi32>
      %squeeze3A_1014 = vector.extract %slice3A_1013[0] : i32 from vector<1xi32>
      %and3A_1015 = arith.constant 127 : i32
      %and3A_1016 = arith.andi %squeeze3A_1014, %and3A_1015 : i32
      %broadcast_in_dim3A_1017 = vector.broadcast %and3A_1016 : i32 to vector<16xi32>
      %mul3A_1018 = arith.constant 2 : i32
      %mul3A_1019 = arith.muli %add3A_177, %mul3A_1018 : i32
      %mul3A_1020 = arith.constant 8 : i32
      %mul3A_1021 = arith.muli %mul3A_1019, %mul3A_1020 : i32
      %add3A_1022 = arith.constant 8 : i32
      %add3A_1023 = arith.addi %mul3A_1021, %add3A_1022 : i32
      %add3A_1024 = arith.constant 5 : i32
      %add3A_1025 = arith.addi %add3A_1023, %add3A_1024 : i32
      %broadcast_in_dim3A_1026 = vector.broadcast %add3A_1025 : i32 to vector<16xi32>
      %gather3A_1027 = arith.constant 5 : i32
      %gather3A_1028 = arith.constant 0 : i32
      %gather3A_1029 = arith.constant 0 : i32
      %gather3A_1030 = tpu.memref_slice %arg7[%gather3A_1027, %gather3A_1028, %gather3A_1029] : memref<8x32x128xf32, #tpu.memory_space<vmem>> -> memref<1x32x128xf32, #tpu.memory_space<vmem>>
      %gather3A_1031 = tpu.memref_squeeze %gather3A_1030 : memref<1x32x128xf32, #tpu.memory_space<vmem>> -> memref<32x128xf32, #tpu.memory_space<vmem>>
      %gather3A_1032 = tpu.vector_load_idx %gather3A_1031[%iota3A, %broadcast_in_dim3A_1017] : memref<32x128xf32, #tpu.memory_space<vmem>>[vector<16xi32>, vector<16xi32>], vector<16xf32>,
      %add3A_1033 = arith.constant 16 : i32
      %add3A_1034 = vector.broadcast %add3A_1033 : i32 to vector<16xi32>
      %add3A_1035 = arith.addi %iota3A, %add3A_1034 : vector<16xi32>
      %gather3A_1036 = arith.constant 5 : i32
      %gather3A_1037 = arith.constant 0 : i32
      %gather3A_1038 = arith.constant 0 : i32
      %gather3A_1039 = tpu.memref_slice %arg7[%gather3A_1036, %gather3A_1037, %gather3A_1038] : memref<8x32x128xf32, #tpu.memory_space<vmem>> -> memref<1x32x128xf32, #tpu.memory_space<vmem>>
      %gather3A_1040 = tpu.memref_squeeze %gather3A_1039 : memref<1x32x128xf32, #tpu.memory_space<vmem>> -> memref<32x128xf32, #tpu.memory_space<vmem>>
      %gather3A_1041 = tpu.vector_load_idx %gather3A_1040[%add3A_1035, %broadcast_in_dim3A_1017] : memref<32x128xf32, #tpu.memory_space<vmem>>[vector<16xi32>, vector<16xi32>], vector<16xf32>,
      tpu.vector_store_idx %arg8[%iota3A, %broadcast_in_dim3A_1026], %gather3A_1032 : memref<32x512xf32, #tpu.memory_space<vmem>>[vector<16xi32>, vector<16xi32>], vector<16xf32>,
      %add3A_1042 = arith.constant 16 : i32
      %add3A_1043 = vector.broadcast %add3A_1042 : i32 to vector<16xi32>
      %add3A_1044 = arith.addi %iota3A, %add3A_1043 : vector<16xi32>
      tpu.vector_store_idx %arg8[%add3A_1044, %broadcast_in_dim3A_1026], %gather3A_1041 : memref<32x512xf32, #tpu.memory_space<vmem>>[vector<16xi32>, vector<16xi32>], vector<16xf32>,
      %slice3A_1045 = vector.extract_strided_slice %get3A_852 {offsets = [14], sizes = [1], strides = [1]} : vector<16xi32> to vector<1xi32>
      %squeeze3A_1046 = vector.extract %slice3A_1045[0] : i32 from vector<1xi32>
      %and3A_1047 = arith.constant 127 : i32
      %and3A_1048 = arith.andi %squeeze3A_1046, %and3A_1047 : i32
      %broadcast_in_dim3A_1049 = vector.broadcast %and3A_1048 : i32 to vector<16xi32>
      %mul3A_1050 = arith.constant 2 : i32
      %mul3A_1051 = arith.muli %add3A_177, %mul3A_1050 : i32
      %mul3A_1052 = arith.constant 8 : i32
      %mul3A_1053 = arith.muli %mul3A_1051, %mul3A_1052 : i32
      %add3A_1054 = arith.constant 8 : i32
      %add3A_1055 = arith.addi %mul3A_1053, %add3A_1054 : i32
      %add3A_1056 = arith.constant 6 : i32
      %add3A_1057 = arith.addi %add3A_1055, %add3A_1056 : i32
      %broadcast_in_dim3A_1058 = vector.broadcast %add3A_1057 : i32 to vector<16xi32>
      %gather3A_1059 = arith.constant 6 : i32
      %gather3A_1060 = arith.constant 0 : i32
      %gather3A_1061 = arith.constant 0 : i32
      %gather3A_1062 = tpu.memref_slice %arg7[%gather3A_1059, %gather3A_1060, %gather3A_1061] : memref<8x32x128xf32, #tpu.memory_space<vmem>> -> memref<1x32x128xf32, #tpu.memory_space<vmem>>
      %gather3A_1063 = tpu.memref_squeeze %gather3A_1062 : memref<1x32x128xf32, #tpu.memory_space<vmem>> -> memref<32x128xf32, #tpu.memory_space<vmem>>
      %gather3A_1064 = tpu.vector_load_idx %gather3A_1063[%iota3A, %broadcast_in_dim3A_1049] : memref<32x128xf32, #tpu.memory_space<vmem>>[vector<16xi32>, vector<16xi32>], vector<16xf32>,
      %add3A_1065 = arith.constant 16 : i32
      %add3A_1066 = vector.broadcast %add3A_1065 : i32 to vector<16xi32>
      %add3A_1067 = arith.addi %iota3A, %add3A_1066 : vector<16xi32>
      %gather3A_1068 = arith.constant 6 : i32
      %gather3A_1069 = arith.constant 0 : i32
      %gather3A_1070 = arith.constant 0 : i32
      %gather3A_1071 = tpu.memref_slice %arg7[%gather3A_1068, %gather3A_1069, %gather3A_1070] : memref<8x32x128xf32, #tpu.memory_space<vmem>> -> memref<1x32x128xf32, #tpu.memory_space<vmem>>
      %gather3A_1072 = tpu.memref_squeeze %gather3A_1071 : memref<1x32x128xf32, #tpu.memory_space<vmem>> -> memref<32x128xf32, #tpu.memory_space<vmem>>
      %gather3A_1073 = tpu.vector_load_idx %gather3A_1072[%add3A_1067, %broadcast_in_dim3A_1049] : memref<32x128xf32, #tpu.memory_space<vmem>>[vector<16xi32>, vector<16xi32>], vector<16xf32>,
      tpu.vector_store_idx %arg8[%iota3A, %broadcast_in_dim3A_1058], %gather3A_1064 : memref<32x512xf32, #tpu.memory_space<vmem>>[vector<16xi32>, vector<16xi32>], vector<16xf32>,
      %add3A_1074 = arith.constant 16 : i32
      %add3A_1075 = vector.broadcast %add3A_1074 : i32 to vector<16xi32>
      %add3A_1076 = arith.addi %iota3A, %add3A_1075 : vector<16xi32>
      tpu.vector_store_idx %arg8[%add3A_1076, %broadcast_in_dim3A_1058], %gather3A_1073 : memref<32x512xf32, #tpu.memory_space<vmem>>[vector<16xi32>, vector<16xi32>], vector<16xf32>,
      %slice3A_1077 = vector.extract_strided_slice %get3A_852 {offsets = [15], sizes = [1], strides = [1]} : vector<16xi32> to vector<1xi32>
      %squeeze3A_1078 = vector.extract %slice3A_1077[0] : i32 from vector<1xi32>
      %and3A_1079 = arith.constant 127 : i32
      %and3A_1080 = arith.andi %squeeze3A_1078, %and3A_1079 : i32
      %broadcast_in_dim3A_1081 = vector.broadcast %and3A_1080 : i32 to vector<16xi32>
      %mul3A_1082 = arith.constant 2 : i32
      %mul3A_1083 = arith.muli %add3A_177, %mul3A_1082 : i32
      %mul3A_1084 = arith.constant 8 : i32
      %mul3A_1085 = arith.muli %mul3A_1083, %mul3A_1084 : i32
      %add3A_1086 = arith.constant 8 : i32
      %add3A_1087 = arith.addi %mul3A_1085, %add3A_1086 : i32
      %add3A_1088 = arith.constant 7 : i32
      %add3A_1089 = arith.addi %add3A_1087, %add3A_1088 : i32
      %broadcast_in_dim3A_1090 = vector.broadcast %add3A_1089 : i32 to vector<16xi32>
      %gather3A_1091 = arith.constant 7 : i32
      %gather3A_1092 = arith.constant 0 : i32
      %gather3A_1093 = arith.constant 0 : i32
      %gather3A_1094 = tpu.memref_slice %arg7[%gather3A_1091, %gather3A_1092, %gather3A_1093] : memref<8x32x128xf32, #tpu.memory_space<vmem>> -> memref<1x32x128xf32, #tpu.memory_space<vmem>>
      %gather3A_1095 = tpu.memref_squeeze %gather3A_1094 : memref<1x32x128xf32, #tpu.memory_space<vmem>> -> memref<32x128xf32, #tpu.memory_space<vmem>>
      %gather3A_1096 = tpu.vector_load_idx %gather3A_1095[%iota3A, %broadcast_in_dim3A_1081] : memref<32x128xf32, #tpu.memory_space<vmem>>[vector<16xi32>, vector<16xi32>], vector<16xf32>,
      %add3A_1097 = arith.constant 16 : i32
      %add3A_1098 = vector.broadcast %add3A_1097 : i32 to vector<16xi32>
      %add3A_1099 = arith.addi %iota3A, %add3A_1098 : vector<16xi32>
      %gather3A_1100 = arith.constant 7 : i32
      %gather3A_1101 = arith.constant 0 : i32
      %gather3A_1102 = arith.constant 0 : i32
      %gather3A_1103 = tpu.memref_slice %arg7[%gather3A_1100, %gather3A_1101, %gather3A_1102] : memref<8x32x128xf32, #tpu.memory_space<vmem>> -> memref<1x32x128xf32, #tpu.memory_space<vmem>>
      %gather3A_1104 = tpu.memref_squeeze %gather3A_1103 : memref<1x32x128xf32, #tpu.memory_space<vmem>> -> memref<32x128xf32, #tpu.memory_space<vmem>>
      %gather3A_1105 = tpu.vector_load_idx %gather3A_1104[%add3A_1099, %broadcast_in_dim3A_1081] : memref<32x128xf32, #tpu.memory_space<vmem>>[vector<16xi32>, vector<16xi32>], vector<16xf32>,
      tpu.vector_store_idx %arg8[%iota3A, %broadcast_in_dim3A_1090], %gather3A_1096 : memref<32x512xf32, #tpu.memory_space<vmem>>[vector<16xi32>, vector<16xi32>], vector<16xf32>,
      %add3A_1106 = arith.constant 16 : i32
      %add3A_1107 = vector.broadcast %add3A_1106 : i32 to vector<16xi32>
      %add3A_1108 = arith.addi %iota3A, %add3A_1107 : vector<16xi32>
      tpu.vector_store_idx %arg8[%add3A_1108, %broadcast_in_dim3A_1090], %gather3A_1105 : memref<32x512xf32, #tpu.memory_space<vmem>>[vector<16xi32>, vector<16xi32>], vector<16xf32>,
    }
    %scan3A_164 = arith.constant 32 : i32
    %dma_start3A_165 = arith.constant 0 : i32
    %dma_start3A_166 = tpu.memref_slice %arg4[%dma_start3A_165, %mul3A_2] : memref<32x16384xf32, #tpu.memory_space<hbm>> -> memref<32x512xf32, #tpu.memory_space<hbm>>
    %dma_start3A_167 = arith.constant 0 : i32
    %dma_start3A_168 = tpu.memref_slice %arg4[%dma_start3A_167, %mul3A_2] : memref<32x16384xf32, #tpu.memory_space<hbm>> -> memref<32x512xf32, #tpu.memory_space<hbm>>
    tpu.enqueue_dma source(%arg8 : memref<32x512xf32, #tpu.memory_space<vmem>>) target(%dma_start3A_168 : memref<32x512xf32, #tpu.memory_space<hbm>>) target_semaphore(%arg11 : memref<!tpu.dma_semaphore, #tpu.memory_space<semaphore_mem>>)
    %dma_wait3A_169 = arith.constant 0 : i32
    %dma_wait3A_170 = tpu.memref_slice %arg4[%dma_wait3A_169, %mul3A_2] : memref<32x16384xf32, #tpu.memory_space<hbm>> -> memref<32x512xf32, #tpu.memory_space<hbm>>
    %dma_wait3A_171 = arith.constant 0 : i32
    %dma_wait3A_172 = tpu.memref_slice %arg4[%dma_wait3A_171, %mul3A_2] : memref<32x16384xf32, #tpu.memory_space<hbm>> -> memref<32x512xf32, #tpu.memory_space<hbm>>
    tpu.wait_dma2 semaphore(%arg11 : memref<!tpu.dma_semaphore, #tpu.memory_space<semaphore_mem>>) src(%arg8 : memref<32x512xf32, #tpu.memory_space<vmem>>) dst(%dma_wait3A_172 : memref<32x512xf32, #tpu.memory_space<hbm>>)
    return
  }
}

</mosaic_0001>

<sc_bundles>
// kernel: kernel.3.cloned.1.call-start
scs
__scs_entry_jumppad:
0x0: {  	(pc) =	sbr.rel $0x88, $3  }
0x1: {  	(tag) =	ssettag $0x0;
	lr =	simm.s32 $0x1  }
0x2: {  	[smem:$0x3F9F] =	sst lr;
	_ =	strace $0xD0000000  }
0x3: {  	_ = 	snop  }
0x4: {  	_ = 	snop  }
0x5: {  	_ = 	snop  }
0x6: {  	_ = 	snop  }
0x7: {  	_ = 	snop  }
__scs_overlays_trampoline_lowered:
0x8: {  	[smem:$0x3FAE] =	sst s0  }
0x9: {  	[smem:$0x3FAF] =	sst s1  }
0xa: {  	[smem:$0x3FB0] =	sst s2  }
0xb: {  	[smem:$0x3FB1] =	sst s3  }
0xc: {  	[smem:$0x3FB2] =	sst s4  }
0xd: {  	[smem:$0x3FB3] =	sst s5  }
0xe: {  	[smem:$0x3FB4] =	sst s6  }
0xf: {  	[smem:$0x3FB5] =	sst s7  }
0x10: {  	[smem:$0x3FB6] =	sst s8  }
0x11: {  	[smem:$0x3FB7] =	sst s9;
	s0 =	simm.s32 @!p0 $0x0  }
0x12: {  	s1 =	sld [smem:$0x3F9D];
	s0 =	simm.s32 @p0 $0x1  }
0x13: {  	[smem:$0x3FB8] =	sst s0;
	s0 =	simm.s32 @!p1 $0x0  }
0x14: {  	s2 =	sld [smem:$0x3F9C];
	s0 =	simm.s32 @p1 $0x1  }
0x15: {  	[smem:$0x3FB9] =	sst s0;
	s0 =	simm.s32 @!p2 $0x0  }
0x16: {  	s3 =	sld [smem:$0x3FDB];
	s0 =	simm.s32 @p2 $0x1  }
0x17: {  	s4 =	simm.s32 $0x1BF5;
	[smem:$0x3FBB] =	sst s0  }
0x18: {  	s0 =	sld [smem:$0x3F9E];
	_ =	swait.ge [sflag:s4], $0x0  }
0x19: {  	s7 =	sld [smem:$0x3F9F]  }
0x1a: {  	s8 =	sadd.s32 $0xFFFFE003, lr  }
0x1b: {  	s9 =	sadd.s32 $0xFFFFFEF7, lr;
	s5 =	simm.s32 $0xFFFFFFFF;
	p2 =	slt.u32 s8, $0xFFFFF086  }
0x1c: {  	p1 =	slt.u32 s9, $0xF7A;
	s5 =	simm.s32 @!p2 $0x0  }
0x1d: {  	s5 =	simm.s32 @p1 $0x1;
	p0 =	seq.s32 s7, s2  }
0x1e: {  	s7 =	smul.u32 @!p0 $0xF7A, s2;
	p2 =	seq.s32 @!p0 s5, $0x0  }
0x1f: {  	s9 =	smul.u32 $0xF7A, s1;
	s8 =	simm.s32 @!p0 $0x1BF5;
	p2 =	por !p2, p0  }
0x20: {  	[sflag:s8] =	ssyncset.s32 @!p0 $0xFFFFF086;
	s6 =	sadd.s32 @!p0 s3, s7;
	s7 =	simm.s32 @!p0 $0x108  }
0x21: {  	s3 =	sadd.s32 s3, s9;
	s6 =	sadd.s32 @!p0 $0x88, s6;
	s7 =	simm.s32 @p2 $0x1082  }
0x22: {  	[simem:s7], [sflag:s8] =	dma.local @!p0 [hbm:s6], $0xF7A  }
0x23: {  	s9 =	sor.u32 $0xD0000000, s2;
	s6 =	simm.s32 $0x108;
	_ =	swait.ge @!p0 [sflag:s8], $0x0  }
0x24: {  	s3 =	sadd.s32 $0x88, s3;
	s6 =	simm.s32 @!p1 $0x1082;
	[sflag:s4] =	ssyncset.s32 $0xFFFFF086  }
0x25: {  	[simem:s6], [sflag:s4] =	dma.local [hbm:s3], $0xF7A  }
0x26: {  	[smem:$0x3F9F] =	sst s1;
	(tag) =	ssettag s2;
	_ =	strace s9  }
0x27: {  	s1 =	sld [smem:$0x3FAF]  }
0x28: {  	s2 =	sld [smem:$0x3FB0]  }
0x29: {  	s4 =	sld [smem:$0x3FB2]  }
0x2a: {  	p0 =	seq.s32 s5, $0x0;
	s5 =	sld [smem:$0x3FB3]  }
0x2b: {  	s6 =	sld [smem:$0x3FB4]  }
0x2c: {  	s7 =	sld [smem:$0x3FB5]  }
0x2d: {  	s3 =	simm.s32 $0x108;
	s8 =	sld [smem:$0x3FB6]  }
0x2e: {  	s3 =	simm.s32 @!p0 $0x1082;
	s9 =	sld [smem:$0x3FB7]  }
0x2f: {  	lr =	sadd.s32 s0, s3;
	s0 =	sld [smem:$0x3FAE]  }
0x30: {  	s3 =	sld [smem:$0x3FB1]  }
0x31: {  	[smem:$0x3FBA] =	sst s10  }
0x32: {  	s10 =	sld [smem:$0x3FB8];
	_ =	sdelay $0x3  }
0x33: {  	p0 =	seq.s32 s10, $0x1;
	s10 =	sld [smem:$0x3FBA];
	_ =	sdelay $0x3  }
0x34: {  	[smem:$0x3FBA] =	sst s10  }
0x35: {  	s10 =	sld [smem:$0x3FB9];
	_ =	sdelay $0x3  }
0x36: {  	p1 =	seq.s32 s10, $0x1;
	s10 =	sld [smem:$0x3FBA];
	_ =	sdelay $0x3  }
0x37: {  	[smem:$0x3FBA] =	sst s10  }
0x38: {  	s10 =	sld [smem:$0x3FBB]  }
0x39: {  	_ = 	snop;
	(pc) =	sbr.ind lr, $3  }
0x3a: {  	_ = 	snop  }
0x3b: {  	_ = 	snop  }
0x3c: {  	p2 =	seq.s32 s10, $0x1;
	s10 =	sld [smem:$0x3FBA]  }
0x3d: {  	_ =	shalt  }
0x3e: {  	_ =	shalt  }
0x3f: {  	_ =	shalt  }
0x40: {  	_ =	shalt  }
0x41: {  	_ =	shalt  }
0x42: {  	_ =	shalt  }
0x43: {  	_ =	shalt  }
0x44: {  	_ =	shalt  }
0x45: {  	_ =	shalt  }
0x46: {  	_ =	shalt  }
0x47: {  	_ =	shalt  }
0x48: {  	_ =	shalt  }
0x49: {  	_ =	shalt  }
0x4a: {  	_ =	shalt  }
0x4b: {  	_ =	shalt  }
0x4c: {  	_ =	shalt  }
0x4d: {  	_ =	shalt  }
0x4e: {  	_ =	shalt  }
0x4f: {  	_ =	shalt  }
0x50: {  	_ =	shalt  }
0x51: {  	_ =	shalt  }
0x52: {  	_ =	shalt  }
0x53: {  	_ =	shalt  }
0x54: {  	_ =	shalt  }
0x55: {  	_ =	shalt  }
0x56: {  	_ =	shalt  }
0x57: {  	_ =	shalt  }
0x58: {  	_ =	shalt  }
0x59: {  	_ =	shalt  }
0x5a: {  	_ =	shalt  }
0x5b: {  	_ =	shalt  }
0x5c: {  	_ =	shalt  }
0x5d: {  	_ =	shalt  }
0x5e: {  	_ =	shalt  }
0x5f: {  	_ =	shalt  }
0x60: {  	_ =	shalt  }
0x61: {  	_ =	shalt  }
0x62: {  	_ =	shalt  }
0x63: {  	_ =	shalt  }
0x64: {  	_ =	shalt  }
0x65: {  	_ =	shalt  }
0x66: {  	_ =	shalt  }
0x67: {  	_ =	shalt  }
0x68: {  	_ =	shalt  }
0x69: {  	_ =	shalt  }
0x6a: {  	_ =	shalt  }
0x6b: {  	_ =	shalt  }
0x6c: {  	_ =	shalt  }
0x6d: {  	_ =	shalt  }
0x6e: {  	_ =	shalt  }
0x6f: {  	_ =	shalt  }
0x70: {  	_ =	shalt  }
0x71: {  	_ =	shalt  }
0x72: {  	_ =	shalt  }
0x73: {  	_ =	shalt  }
0x74: {  	_ =	shalt  }
0x75: {  	_ =	shalt  }
0x76: {  	_ =	shalt  }
0x77: {  	_ =	shalt  }
0x78: {  	_ =	shalt  }
0x79: {  	_ =	shalt  }
0x7a: {  	_ =	shalt  }
0x7b: {  	_ =	shalt  }
0x7c: {  	_ =	shalt  }
0x7d: {  	_ =	shalt  }
0x7e: {  	_ =	shalt  }
0x7f: {  	_ =	shalt  }
0x80: {  	_ =	shalt  }
0x81: {  	_ =	shalt  }
0x82: {  	_ =	shalt  }
0x83: {  	_ =	shalt  }
0x84: {  	_ =	shalt  }
0x85: {  	_ =	shalt  }
0x86: {  	_ =	shalt  }
0x87: {  	_ =	shalt  }
.Lfunc_end0:
.L_simem_size_0:
called_computation_lowered:
.L_overlay_start_0:
0x88: {  	s2 =	sld [smem:$0x3FD9]  }
0x89: {  	s3 =	sld [smem:$0x3FFE];
	_ =	sdelay $0x1  }
0x8a: {  	s1 =	srdreg.scid  }
0x8b: {  	s0 =	sand.u32 $0x1, s1  }
0x8c: {  	s18 =	sshll.u32 s0, $0xA;
	s2 =	sadd.s32 s3, s2  }
0x8d: {  	s2 =	sadd.s32 s2, s18  }
0x8e: {  	[smem:$0x3FC6] =	sst s2  }
0x8f: {  	_ = 	snop  }
0x90: {  	s2 =	sld [smem:$0x3FC9]  }
0x91: {  	s19 =	sld [smem:$0x3FC8]  }
0x92: {  	s4 =	sld [smem:$0x3FD0];
	(tm) =	ssettm $0x1  }
0x93: {  	s5 =	sld [smem:$0x3FFB];
	_ =	sdelay $0x3  }
0x94: {  	_ =	strace s5  }
0x95: {  	s5 =	sld [smem:$0x3FFC];
	_ =	sdelay $0x3  }
0x96: {  	_ =	strace s5  }
0x97: {  	s5 =	sld [smem:$0x3FFD];
	_ =	sdelay $0x3  }
0x98: {  	_ =	strace s5  }
0x99: {  	_ =	strace $0x8FFFFFFF  }
0x9a: {  	s20 =	sld [smem:$0x3FDB];
	_ =	sdelay $0x1  }
0x9b: {  	s6 =	simm.s32 $_scs_section_size  }
0x9c: {  	s7 =	simm.s32 $_size__tile_overlayer_lowered;
	s8 =	simm.s32 $_tile_overlayer_lowered  }
0x9d: {  	s23 =	simm.s32 $0x1BFF;
	s22 =	sshll.u32 s8, $0x1;
	s5 =	sadd.s32 s6, s20  }
0x9e: {  	s9 =	simm.s32 $0x0;
	s21 =	sshll.u32 s7, $0x1;
	s7 =	sadd.s32 s22, s5  }
0x9f: {  	[timem:s9], [sflag:s23] =	dma.local [hbm:s7], s21  }
0xa0: {  	_ =	swait.ge [sflag:s23], s21  }
0xa1: {  	s6 =	ssub.s32 $0x0, s21;
	[sflag:s23] =	ssyncset.done $0x0  }
0xa2: {  	[sflag:s23] =	ssyncadd.s32 s6;
	_ =	sdelay $0x1  }
0xa3: {  	s24 =	simm.s32 $0x1B8B  }
0xa4: {  	_ =	swait.ge [sflag:s24], $0x1  }
0xa5: {  	[sflag:s24] =	ssyncset.done $0x0  }
0xa6: {  	s25 =	simm.s32 $0x1B8E;
	[sflag:s24] =	ssyncadd.s32 $0xFFFFFFFF  }
0xa7: {  	s26 =	simm.s32 $execute0_lowered;
	[smem:$0x3FD2] =	sst s25  }
0xa8: {  	s6 =	sshll.u32 s26, $0x1;
	_ =	strace $0x80000046;
	[dreg:$0x1] =	wrdreg $0xFFFFFFFF  }
0xa9: {  	s28 =	simm.s32 $_size_execute0_lowered;
	s5 =	sadd.s32 s5, s6;
	[dreg:$0x0] =	wrdreg $0x0  }
0xaa: {  	s6 =	sshll.u32 s28, $0x1;
	[dreg:$0x2] =	wrdreg s5  }
0xab: {  	[dreg:$0x3] =	wrdreg s6  }
0xac: {  	[dreg:$0x4] =	wrdreg $0xC0  }
0xad: {  	_ =	task [dreg:s9], $0x5FFFF  }
0xae: {  	[dreg:$0x1] =	wrdreg $0xFFFFFFFF  }
0xaf: {  	[dreg:$0x0] =	wrdreg $0x60  }
0xb0: {  	[dreg:$0x2] =	wrdreg s19  }
0xb1: {  	[dreg:$0x3] =	wrdreg s2  }
0xb2: {  	[dreg:$0x4] =	wrdreg s4  }
0xb3: {  	[dreg:$0x5] =	wrdreg $0x9  }
0xb4: {  	_ =	task.clear_ibuf [dreg:s9], $0x6FFFF;
	_ =	strace $0x90000046  }
0xb5: {  	s29 =	simm.s32 $0x9;
	_ =	strace $0x80000048  }
0xb6: {  	_ =	swait.ge [sflag:s29], $0x1  }
0xb7: {  	[sflag:s29] =	ssyncadd.s32 $0xFFFFFFFF  }
0xb8: {  	_ =	strace $0x90000048  }
0xb9: {  	_ =	sfence  }
0xba: {  	s30 =	sld [smem:$0x0];
	_ =	sdelay $0x2  }
0xbb: {  	s31 =	sshll.u32 s1, $0xD;
	s1 =	sshrl.u32 s1, $0x2  }
0xbc: {  	s3 =	sand.u32 $0x4000, s31;
	s1 =	sadd.s32 s1, s30  }
0xbd: {  	s0 =	sor.u32 s3, s0;
	s1 =	sshll.u32 s1, $0x11  }
0xbe: {  	s0 =	sor.u32 s1, s0  }
0xbf: {  	s0 =	sadd.s32 $0x8F2B, s0  }
0xc0: {  	[sflag:s0] =	ssyncadd.remote.s32 $0x1  }
0xc1: {  	_ =	sfence.sel $0xFFFF  }
0xc2: {  	[dreg:$0x0] =	wrdreg $0xFFFFFFFF;
	(pc) =	sbr.abs _section_cstart, $3  }
0xc3: {  	[dreg:$0x1] =	wrdreg $0xFFFFFFFF  }
0xc4: {  	_ =	task.clear_ibuf [dreg:s9], $0x2FFFF;
	_ =	strace $0x9FFFFFFF  }
0xc5: {  	(tm) =	ssettm $0x7FFFFFFF  }
tec
execute0_lowered:
.L_overlay_start_1:
0x0: {  	(tag) =	ssettag $0x1  }
0x1: {  	v1 =	vimm.s32 $0x1380;
	vm0 =	vcmask $0x300  }
0x2: {  	s0 =	rddreg [dreg:$0x0];
	v2 =	vimm.s32 $0x3380;
	vm1 =	vcmask $0x704;
	vm15 =	vcmask $0xB08  }
0x3: {  	s1 =	rddreg [dreg:$0x1];
	s2 =	srdreg.scid;
	vm4 =	vcmask $0xF0C;
	v1 =	vsel vm0, $0x0, v1;
	v2 =	vsel vm0, $0x2000, v2  }
0x4: {  	s3 =	rddreg [dreg:$0x2];
	s4 =	stileid.u32;
	vm5 =	vcmask $0x1310;
	v1 =	vsel vm1, $0x80, v1;
	v2 =	vsel vm1, $0x2080, v2  }
0x5: {  	s6 =	simm.s32 $0x0;
	vm6 =	vcmask $0x1714;
	s7 =	simm.s32 $0x400;
	s8 =	simm.s32 $0x3;
	v1 =	vsel vm15, $0x100, v1;
	v2 =	vsel vm15, $0x2100, v2  }
0x6: {  	v0 =	vlaneseq.u32;
	s9 =	simm.s32 $0x7A1400;
	s10 =	simm.s32 $0x200;
	s11 =	simm.s32 $0x1200;
	v1 =	vsel vm4, $0x180, v1;
	v2 =	vsel vm4, $0x2180, v2  }
0x7: {  	vm7 =	vcmask $0x1B18;
	s12 =	simm.s32 $0x2200;
	s13 =	simm.s32 $0x3200;
	s14 =	simm.s32 $0x4200;
	v1 =	vsel vm5, $0x200, v1;
	v2 =	vsel vm5, $0x2200, v2  }
0x8: {  	vm8 =	vcmask $0x1F1C;
	s15 =	simm.s32 $0x5200;
	s16 =	simm.s32 $0x6200;
	s17 =	simm.s32 $0x7200;
	v1 =	vsel vm6, $0x280, v1;
	v2 =	vsel vm6, $0x2280, v2  }
0x9: {  	vm9 =	vcmask $0x2320;
	s18 =	simm.s32 $0x8200;
	s19 =	simm.s32 $0x9200;
	s20 =	simm.s32 $0xA200;
	v1 =	vsel vm7, $0x300, v1;
	v2 =	vsel vm7, $0x2300, v2  }
0xa: {  	vm10 =	vcmask $0x2724;
	s21 =	simm.s32 $0xB200;
	s22 =	simm.s32 $0xC200;
	s23 =	simm.s32 $0xD200;
	v1 =	vsel vm8, $0x380, v1;
	v2 =	vsel vm8, $0x2380, v2  }
0xb: {  	vm11 =	vcmask $0x2B28;
	s24 =	simm.s32 $0xE200;
	s25 =	simm.s32 $0xF200;
	s28 =	simm.s32 $0x10200;
	v1 =	vsel vm9, $0x1000, v1;
	v2 =	vsel vm9, $0x3000, v2  }
0xc: {  	vm12 =	vcmask $0x2F2C;
	s29 =	simm.s32 $0x2;
	s2 =	sand.u32 $0x1, s2;
	s4 =	sshll.u32 s4, $0xA;
	v1 =	vsel vm10, $0x1080, v1;
	v2 =	vsel vm10, $0x3080, v2  }
0xd: {  	vm13 =	vcmask $0x3330;
	[smem:$0x7FF] =	sst s6;
	s5 =	sshll.u32 s2, $0x9;
	s2 =	ssub.s32 $0x2, s2;
	v1 =	vsel vm11, $0x1100, v1;
	v2 =	vsel vm11, $0x3100, v2  }
0xe: {  	vm14 =	vcmask $0x3734;
	_ =	strace $0x80000047;
	s5 =	sor.u32 s5, s4;
	s26 =	sshrl.u32 s2, $0x1;
	v1 =	vsel vm12, $0x1180, v1;
	v2 =	vsel vm12, $0x3180, v2  }
0xf: {  	v0 =	vmul.u32 $0x80, v0;
	s30 =	sshrl.u32 s5, $0x3;
	s2 =	ssub.s32 s2, s26;
	s31 =	sadd.s32 s3, s5;
	v1 =	vsel vm13, $0x1200, v1;
	v2 =	vsel vm13, $0x3200, v2  }
0x10: {  	vm15 =	vcmask $0x3B38;
	s26 =	simm.s32 $0x1;
	s1 =	sadd.s32 s1, s30;
	[dreg:$0x5] =	wrdreg s31;
	v3 =	vsel vm14, $0x1280, v1;
	v4 =	vsel vm14, $0x3280, v2  }
0x11: {  	s6 =	smax.u32 s2, $0x1;
	s2 =	simm.s32 $0x0;
	[dreg:$0x4] =	wrdreg s1;
	v1 =	vor.u32 $0x800, v0;
	v2 =	vsel vm15, $0x1300, v3;
	v3 =	vsel vm15, $0x3300, v4  }
.LBB2_1:
0x12: {  	s1 =	simm.s32 $0x0;
	s3 =	rddreg [dreg:$0x4]  }
0x13: {  	[tilespmem:s1], [sflag:$0x3] =	stream.linear.gather [hbm4b:s3+s1], $0x200, $0x38;
	[tilespmem:$0x14200] =	vst v63  }
0x14: {  	_ =	swait.ge [sflag:s8], $0x200  }
0x15: {  	[sflag:s8] =	ssyncset.done $0x0  }
0x16: {  	[sflag:s8] =	ssyncadd.s32 $0xFFFFFE00  }
0x17: {  	v4 =	vld [tilespmem:$0x0];
	_ =	sdelay $0x4  }
0x18: {  	(v2sf) =	vpush v4, $0x0  }
0x19: {  	(v2sf) =	vpush v4, $0x1;
	_ =	sdelay $0x1  }
0x1a: {  	(v2sf) =	vpush v4, $0x2;
	_ =	sdelay $0x4  }
0x1b: {  	(v2sf) =	vpush v4, $0x3  }
0x1c: {  	(v2sf) =	vpush v4, $0x4;
	_ =	sdelay $0x5  }
0x1d: {  	s4 =	spop (v2sf);
	(v2sf) =	vpush v4, $0x5  }
0x1e: {  	s5 =	spop (v2sf);
	(v2sf) =	vpush v4, $0x6  }
0x1f: {  	s1 =	sand.u32 $0xFFFFF80, s4  }
0x20: {  	s1 =	sadd.s32 s0, s1;
	s30 =	spop (v2sf)  }
0x21: {  	(v2sf) =	vpush v4, $0x7;
	[tilespmem:s10], [sflag:$0x1] =	stream.strided.gather [hbm4b:s1+s7], $0x1000, s9, s7, $0x38;
	[tilespmem:$0x14200] =	vst v63  }
0x22: {  	s1 =	sand.u32 $0xFFFFF80, s5  }
0x23: {  	s1 =	sadd.s32 s0, s1  }
0x24: {  	[tilespmem:s11], [sflag:$0x1] =	stream.strided.gather [hbm4b:s1+s7], $0x1000, s9, s7, $0x38;
	[tilespmem:$0x14200] =	vst v63  }
0x25: {  	s31 =	spop (v2sf);
	s1 =	sand.u32 $0xFFFFF80, s30  }
0x26: {  	s4 =	sand.u32 $0xFFFFF80, s31;
	s5 =	spop (v2sf);
	s1 =	sadd.s32 s0, s1  }
0x27: {  	[tilespmem:s12], [sflag:$0x1] =	stream.strided.gather [hbm4b:s1+s7], $0x1000, s9, s7, $0x38;
	[tilespmem:$0x14200] =	vst v63  }
0x28: {  	s30 =	sand.u32 $0xFFFFF80, s5;
	s1 =	sadd.s32 s0, s4  }
0x29: {  	[tilespmem:s13], [sflag:$0x1] =	stream.strided.gather [hbm4b:s1+s7], $0x1000, s9, s7, $0x38;
	[tilespmem:$0x14200] =	vst v63  }
0x2a: {  	s1 =	sadd.s32 s0, s30  }
0x2b: {  	[tilespmem:s14], [sflag:$0x1] =	stream.strided.gather [hbm4b:s1+s7], $0x1000, s9, s7, $0x38;
	[tilespmem:$0x14200] =	vst v63  }
0x2c: {  	s31 =	spop (v2sf)  }
0x2d: {  	s4 =	sand.u32 $0xFFFFF80, s31;
	s5 =	spop (v2sf)  }
0x2e: {  	s1 =	sadd.s32 s0, s4;
	s30 =	sand.u32 $0xFFFFF80, s5  }
0x2f: {  	[tilespmem:s15], [sflag:$0x1] =	stream.strided.gather [hbm4b:s1+s7], $0x1000, s9, s7, $0x38;
	[tilespmem:$0x14200] =	vst v63  }
0x30: {  	s31 =	spop (v2sf);
	s1 =	sadd.s32 s0, s30  }
0x31: {  	[tilespmem:s16], [sflag:$0x1] =	stream.strided.gather [hbm4b:s1+s7], $0x1000, s9, s7, $0x38;
	[tilespmem:$0x14200] =	vst v63  }
0x32: {  	s1 =	sand.u32 $0xFFFFF80, s31  }
0x33: {  	s1 =	sadd.s32 s0, s1  }
0x34: {  	[tilespmem:s17], [sflag:$0x1] =	stream.strided.gather [hbm4b:s1+s7], $0x1000, s9, s7, $0x38;
	[tilespmem:$0x14200] =	vst v63  }
0x35: {  	s3 =	simm.s32 $0x0;
	s1 =	simm.s32 $0xF  }
.LBB2_2:
0x36: {  	v4 =	vld [tilespmem:s3+$0x0];
	_ =	sdelay $0x4  }
0x37: {  	(v2sf) =	vpush v4, $0x8;
	_ =	sdelay $0x1  }
0x38: {  	(v2sf) =	vpush v4, $0x9;
	_ =	sdelay $0x1  }
0x39: {  	(v2sf) =	vpush v4, $0xA;
	_ =	sdelay $0x2  }
0x3a: {  	(v2sf) =	vpush v4, $0xB;
	_ =	sdelay $0x7  }
0x3b: {  	s30 =	spop (v2sf);
	(v2sf) =	vpush v4, $0xC;
	_ =	sdelay $0x1  }
0x3c: {  	s5 =	spop (v2sf);
	(v2sf) =	vpush v4, $0xD  }
0x3d: {  	s30 =	sand.u32 $0xFFFFF80, s30  }
0x3e: {  	s30 =	sadd.s32 s0, s30;
	s31 =	spop (v2sf)  }
0x3f: {  	(v2sf) =	vpush v4, $0xE;
	[tilespmem:s18], [sflag:$0x2] =	stream.strided.gather [hbm4b:s30+s7], $0x1000, s9, s7, $0x38;
	[tilespmem:$0x14200] =	vst v63  }
0x40: {  	s30 =	sand.u32 $0xFFFFF80, s5  }
0x41: {  	s4 =	spop (v2sf);
	s30 =	sadd.s32 s0, s30  }
0x42: {  	(v2sf) =	vpush v4, $0xF;
	[tilespmem:s19], [sflag:$0x2] =	stream.strided.gather [hbm4b:s30+s7], $0x1000, s9, s7, $0x38;
	[tilespmem:$0x14200] =	vst v63  }
0x43: {  	s30 =	sand.u32 $0xFFFFF80, s31  }
0x44: {  	s30 =	sadd.s32 s0, s30  }
0x45: {  	[tilespmem:s20], [sflag:$0x2] =	stream.strided.gather [hbm4b:s30+s7], $0x1000, s9, s7, $0x38;
	[tilespmem:$0x14200] =	vst v63  }
0x46: {  	s30 =	sand.u32 $0xFFFFF80, s4  }
0x47: {  	s30 =	sadd.s32 s0, s30  }
0x48: {  	[tilespmem:s21], [sflag:$0x2] =	stream.strided.gather [hbm4b:s30+s7], $0x1000, s9, s7, $0x38;
	[tilespmem:$0x14200] =	vst v63  }
0x49: {  	s5 =	spop (v2sf)  }
0x4a: {  	s30 =	sand.u32 $0xFFFFF80, s5  }
0x4b: {  	s31 =	spop (v2sf);
	s30 =	sadd.s32 s0, s30  }
0x4c: {  	[tilespmem:s22], [sflag:$0x2] =	stream.strided.gather [hbm4b:s30+s7], $0x1000, s9, s7, $0x38;
	[tilespmem:$0x14200] =	vst v63  }
0x4d: {  	s30 =	sand.u32 $0xFFFFF80, s31  }
0x4e: {  	s4 =	spop (v2sf);
	s30 =	sadd.s32 s0, s30  }
0x4f: {  	[tilespmem:s23], [sflag:$0x2] =	stream.strided.gather [hbm4b:s30+s7], $0x1000, s9, s7, $0x38;
	[tilespmem:$0x14200] =	vst v63  }
0x50: {  	s30 =	sand.u32 $0xFFFFF80, s4  }
0x51: {  	s5 =	spop (v2sf);
	s30 =	sadd.s32 s0, s30  }
0x52: {  	[tilespmem:s24], [sflag:$0x2] =	stream.strided.gather [hbm4b:s30+s7], $0x1000, s9, s7, $0x38;
	[tilespmem:$0x14200] =	vst v63  }
0x53: {  	s30 =	sand.u32 $0xFFFFF80, s5  }
0x54: {  	s30 =	sadd.s32 s0, s30  }
0x55: {  	[tilespmem:s25], [sflag:$0x2] =	stream.strided.gather [hbm4b:s30+s7], $0x1000, s9, s7, $0x38;
	[tilespmem:$0x14200] =	vst v63  }
0x56: {  	_ =	swait.ge [sflag:s26], $0x1000  }
0x57: {  	[sflag:s26] =	ssyncset.done $0x0  }
0x58: {  	[sflag:s26] =	ssyncadd.s32 $0xFFFFF000  }
0x59: {  	_ =	swait.ge [sflag:s26], $0x1000  }
0x5a: {  	[sflag:s26] =	ssyncset.done $0x0  }
0x5b: {  	[sflag:s26] =	ssyncadd.s32 $0xFFFFF000  }
0x5c: {  	_ =	swait.ge [sflag:s26], $0x1000  }
0x5d: {  	[sflag:s26] =	ssyncset.done $0x0  }
0x5e: {  	[sflag:s26] =	ssyncadd.s32 $0xFFFFF000  }
0x5f: {  	_ =	swait.ge [sflag:s26], $0x1000  }
0x60: {  	[sflag:s26] =	ssyncset.done $0x0  }
0x61: {  	[sflag:s26] =	ssyncadd.s32 $0xFFFFF000  }
0x62: {  	_ =	swait.ge [sflag:s26], $0x1000  }
0x63: {  	[sflag:s26] =	ssyncset.done $0x0  }
0x64: {  	[sflag:s26] =	ssyncadd.s32 $0xFFFFF000  }
0x65: {  	_ =	swait.ge [sflag:s26], $0x1000  }
0x66: {  	[sflag:s26] =	ssyncset.done $0x0  }
0x67: {  	[sflag:s26] =	ssyncadd.s32 $0xFFFFF000  }
0x68: {  	_ =	swait.ge [sflag:s26], $0x1000  }
0x69: {  	[sflag:s26] =	ssyncset.done $0x0  }
0x6a: {  	[sflag:s26] =	ssyncadd.s32 $0xFFFFF000  }
0x6b: {  	_ =	swait.ge [sflag:s26], $0x1000  }
0x6c: {  	[sflag:s26] =	ssyncset.done $0x0  }
0x6d: {  	[sflag:s26] =	ssyncadd.s32 $0xFFFFF000  }
0x6e: {  	v4 =	vld [tilespmem:s3+$0x0];
	_ =	sdelay $0x4  }
0x6f: {  	(v2sf) =	vpush v4, $0x0;
	_ =	sdelay $0x6  }
0x70: {  	(v2sf) =	vpush v4, $0x1;
	_ =	sdelay $0x6  }
0x71: {  	(v2sf) =	vpush v4, $0x2  }
0x72: {  	s31 =	spop (v2sf)  }
0x73: {  	s30 =	sand.u32 $0x7F, s31  }
0x74: {  	s31 =	sadd.s32 $0xFFFFFFF1, s1;
	v5 =	vor.u32 s30, v0  }
0x75: {  	v6 =	vmov s31;
	v7 =	vor.u32 s30, v1  }
0x76: {  	v8 =	vshll.u32 v6, $0x3  }
0x77: {  	v6 =	vand.u32 $0x70, v6;
	v8 =	vand.u32 $0xC00, v8  }
0x78: {  	(v2sf) =	vpush v4, $0x3;
	v6 =	vor.u32 v6, v8  }
0x79: {  	s4 =	spop (v2sf);
	v8 =	vor.u32 v2, v6;
	v5 =	vld.idx.msk [tilespmem:v5+s10+$0x0], $0xffff  }
0x7a: {  	s30 =	sand.u32 $0x7F, s4;
	v6 =	vor.u32 v3, v6;
	v7 =	vld.idx.msk [tilespmem:v7+s10+$0x0], $0xffff  }
0x7b: {  	s5 =	sadd.s32 $0xFFFFFFF2, s1;
	v9 =	vor.u32 s30, v0  }
0x7c: {  	v10 =	vmov s5;
	v11 =	vor.u32 s30, v1  }
0x7d: {  	v12 =	vshll.u32 v10, $0x3  }
0x7e: {  	v31 =	vand.u32 $0xC00, v12;
	[tilespmem:v8+s28+$0x0] =	vst.idx.msk $0xffff, v5;
	v5 =	vand.u32 $0x71, v10  }
0x7f: {  	(v2sf) =	vpush v4, $0x4;
	[tilespmem:v6+s28+$0x0] =	vst.idx.msk $0xffff, v7;
	v5 =	vor.u32 v5, v31  }
0x80: {  	s4 =	spop (v2sf);
	v6 =	vld.idx.msk [tilespmem:v9+s11+$0x0], $0xffff;
	v32 =	vor.u32 v2, v5  }
0x81: {  	s30 =	sand.u32 $0x7F, s4;
	v33 =	vld.idx.msk [tilespmem:v11+s11+$0x0], $0xffff;
	v5 =	vor.u32 v3, v5  }
0x82: {  	s5 =	sadd.s32 $0xFFFFFFF3, s1;
	v34 =	vor.u32 s30, v0  }
0x83: {  	v35 =	vmov s5;
	v36 =	vor.u32 s30, v1  }
0x84: {  	v37 =	vshll.u32 v35, $0x3  }
0x85: {  	v38 =	vand.u32 $0x72, v35;
	v39 =	vand.u32 $0xC00, v37;
	[tilespmem:v32+s28+$0x0] =	vst.idx.msk $0xffff, v6  }
0x86: {  	(v2sf) =	vpush v4, $0x5;
	[tilespmem:v5+s28+$0x0] =	vst.idx.msk $0xffff, v33;
	v5 =	vor.u32 v38, v39  }
0x87: {  	s4 =	spop (v2sf);
	v40 =	vld.idx.msk [tilespmem:v34+s12+$0x0], $0xffff;
	v7 =	vor.u32 v2, v5  }
0x88: {  	s30 =	sand.u32 $0x7F, s4;
	v8 =	vld.idx.msk [tilespmem:v36+s12+$0x0], $0xffff;
	v5 =	vor.u32 v3, v5  }
0x89: {  	s5 =	sadd.s32 $0xFFFFFFF4, s1;
	v41 =	vor.u32 s30, v0  }
0x8a: {  	v42 =	vmov s5;
	v43 =	vor.u32 s30, v1  }
0x8b: {  	v44 =	vshll.u32 v42, $0x3  }
0x8c: {  	v45 =	vand.u32 $0x73, v42;
	v46 =	vand.u32 $0xC00, v44;
	[tilespmem:v7+s28+$0x0] =	vst.idx.msk $0xffff, v40  }
0x8d: {  	(v2sf) =	vpush v4, $0x6;
	[tilespmem:v5+s28+$0x0] =	vst.idx.msk $0xffff, v8;
	v5 =	vor.u32 v45, v46  }
0x8e: {  	s4 =	spop (v2sf);
	v47 =	vld.idx.msk [tilespmem:v41+s13+$0x0], $0xffff;
	v7 =	vor.u32 v2, v5  }
0x8f: {  	s30 =	sand.u32 $0x7F, s4;
	v8 =	vld.idx.msk [tilespmem:v43+s13+$0x0], $0xffff;
	v5 =	vor.u32 v3, v5  }
0x90: {  	s5 =	sadd.s32 $0xFFFFFFF5, s1;
	v48 =	vor.u32 s30, v0  }
0x91: {  	v49 =	vmov s5;
	v50 =	vor.u32 s30, v1  }
0x92: {  	v51 =	vshll.u32 v49, $0x3  }
0x93: {  	v52 =	vand.u32 $0x74, v49;
	v53 =	vand.u32 $0xC00, v51;
	[tilespmem:v7+s28+$0x0] =	vst.idx.msk $0xffff, v47  }
0x94: {  	(v2sf) =	vpush v4, $0x7;
	[tilespmem:v5+s28+$0x0] =	vst.idx.msk $0xffff, v8;
	v5 =	vor.u32 v52, v53  }
0x95: {  	s4 =	spop (v2sf);
	v4 =	vld.idx.msk [tilespmem:v48+s14+$0x0], $0xffff;
	v6 =	vor.u32 v2, v5  }
0x96: {  	s30 =	sand.u32 $0x7F, s4;
	v54 =	vld.idx.msk [tilespmem:v50+s14+$0x0], $0xffff;
	v5 =	vor.u32 v3, v5  }
0x97: {  	s5 =	sadd.s32 $0xFFFFFFF6, s1;
	v55 =	vor.u32 s30, v0  }
0x98: {  	v56 =	vmov s5;
	v57 =	vor.u32 s30, v1  }
0x99: {  	v58 =	vshll.u32 v56, $0x3  }
0x9a: {  	v59 =	vand.u32 $0xC00, v58;
	[tilespmem:v6+s28+$0x0] =	vst.idx.msk $0xffff, v4;
	v4 =	vand.u32 $0x75, v56  }
0x9b: {  	[tilespmem:v5+s28+$0x0] =	vst.idx.msk $0xffff, v54;
	v4 =	vor.u32 v4, v59  }
0x9c: {  	s4 =	spop (v2sf);
	v5 =	vld.idx.msk [tilespmem:v55+s15+$0x0], $0xffff;
	v6 =	vor.u32 v2, v4  }
0x9d: {  	s30 =	sand.u32 $0x7F, s4;
	v7 =	vld.idx.msk [tilespmem:v57+s15+$0x0], $0xffff;
	v4 =	vor.u32 v3, v4  }
0x9e: {  	s5 =	sadd.s32 $0xFFFFFFF7, s1;
	v60 =	vor.u32 s30, v0  }
0x9f: {  	v61 =	vmov s5;
	v62 =	vor.u32 s30, v1  }
0xa0: {  	v63 =	vshll.u32 v61, $0x3  }
0xa1: {  	v12 =	vand.u32 $0xC00, v63;
	[tilespmem:v6+s28+$0x0] =	vst.idx.msk $0xffff, v5;
	v5 =	vand.u32 $0x76, v61  }
0xa2: {  	[tilespmem:v4+s28+$0x0] =	vst.idx.msk $0xffff, v7;
	v4 =	vor.u32 v5, v12  }
0xa3: {  	s4 =	spop (v2sf);
	v5 =	vld.idx.msk [tilespmem:v60+s16+$0x0], $0xffff;
	v6 =	vor.u32 v2, v4  }
0xa4: {  	s30 =	sand.u32 $0x7F, s4;
	v7 =	vld.idx.msk [tilespmem:v62+s16+$0x0], $0xffff;
	v4 =	vor.u32 v3, v4  }
0xa5: {  	s5 =	sadd.s32 $0xFFFFFFF8, s1;
	v13 =	vor.u32 s30, v0  }
0xa6: {  	v14 =	vmov s5;
	v15 =	vor.u32 s30, v1  }
0xa7: {  	v16 =	vshll.u32 v14, $0x3  }
0xa8: {  	v17 =	vand.u32 $0xC00, v16;
	[tilespmem:v6+s28+$0x0] =	vst.idx.msk $0xffff, v5;
	v5 =	vand.u32 $0x77, v14  }
0xa9: {  	[tilespmem:v4+s28+$0x0] =	vst.idx.msk $0xffff, v7;
	v4 =	vor.u32 v5, v17  }
0xaa: {  	v5 =	vld.idx.msk [tilespmem:v13+s17+$0x0], $0xffff;
	v6 =	vor.u32 v2, v4  }
0xab: {  	v7 =	vld.idx.msk [tilespmem:v15+s17+$0x0], $0xffff;
	v4 =	vor.u32 v3, v4;
	_ =	sdelay $0x3  }
0xac: {  	[tilespmem:v6+s28+$0x0] =	vst.idx.msk $0xffff, v5  }
0xad: {  	p0 =	seq.s32 s1, $0x1FF;
	[tilespmem:v4+s28+$0x0] =	vst.idx.msk $0xffff, v7  }
0xae: {  	v4 =	vld @!p0 [tilespmem:s3+$0x10];
	_ =	sdelay $0x4  }
0xaf: {  	(v2sf) =	vpush @!p0 v4, $0x0;
	_ =	sdelay $0x3  }
0xb0: {  	(v2sf) =	vpush @!p0 v4, $0x1;
	_ =	sdelay $0x3  }
0xb1: {  	(v2sf) =	vpush @!p0 v4, $0x2;
	_ =	sdelay $0x3  }
0xb2: {  	(v2sf) =	vpush @!p0 v4, $0x3;
	_ =	sdelay $0x2  }
0xb3: {  	s30 =	spop @!p0 (v2sf)  }
0xb4: {  	s5 =	simm.s32 @!p0 $0x200;
	(v2sf) =	vpush @!p0 v4, $0x4;
	s30 =	sand.u32 @!p0 $0xFFFFF80, s30  }
0xb5: {  	s31 =	simm.s32 @!p0 $0x400;
	s4 =	simm.s32 @!p0 $0x7A1400;
	s30 =	sadd.s32 @!p0 s0, s30  }
0xb6: {  	[tilespmem:s5], [sflag:$0x1] =	stream.strided.gather @!p0 [hbm4b:s30+s31], $0x1000, s4, s31, $0x38;
	[tilespmem:$0x14200] =	vst v63  }
0xb7: {  	s5 =	spop @!p0 (v2sf)  }
0xb8: {  	(v2sf) =	vpush @!p0 v4, $0x5;
	s5 =	sand.u32 @!p0 $0xFFFFF80, s5  }
0xb9: {  	s30 =	simm.s32 @!p0 $0x1200;
	s5 =	sadd.s32 @!p0 s0, s5  }
0xba: {  	[tilespmem:s30], [sflag:$0x1] =	stream.strided.gather @!p0 [hbm4b:s5+s31], $0x1000, s4, s31, $0x38;
	[tilespmem:$0x14200] =	vst v63  }
0xbb: {  	s5 =	spop @!p0 (v2sf)  }
0xbc: {  	(v2sf) =	vpush @!p0 v4, $0x6;
	s5 =	sand.u32 @!p0 $0xFFFFF80, s5  }
0xbd: {  	s30 =	simm.s32 @!p0 $0x2200;
	s5 =	sadd.s32 @!p0 s0, s5  }
0xbe: {  	[tilespmem:s30], [sflag:$0x1] =	stream.strided.gather @!p0 [hbm4b:s5+s31], $0x1000, s4, s31, $0x38;
	[tilespmem:$0x14200] =	vst v63  }
0xbf: {  	s5 =	spop @!p0 (v2sf)  }
0xc0: {  	(v2sf) =	vpush @!p0 v4, $0x7;
	s5 =	sand.u32 @!p0 $0xFFFFF80, s5  }
0xc1: {  	s30 =	simm.s32 @!p0 $0x3200;
	s5 =	sadd.s32 @!p0 s0, s5  }
0xc2: {  	[tilespmem:s30], [sflag:$0x1] =	stream.strided.gather @!p0 [hbm4b:s5+s31], $0x1000, s4, s31, $0x38;
	[tilespmem:$0x14200] =	vst v63  }
0xc3: {  	s5 =	spop @!p0 (v2sf)  }
0xc4: {  	s5 =	sand.u32 @!p0 $0xFFFFF80, s5  }
0xc5: {  	s30 =	simm.s32 @!p0 $0x4200;
	s5 =	sadd.s32 @!p0 s0, s5  }
0xc6: {  	[tilespmem:s30], [sflag:$0x1] =	stream.strided.gather @!p0 [hbm4b:s5+s31], $0x1000, s4, s31, $0x38;
	[tilespmem:$0x14200] =	vst v63  }
0xc7: {  	s5 =	spop @!p0 (v2sf)  }
0xc8: {  	s5 =	sand.u32 @!p0 $0xFFFFF80, s5  }
0xc9: {  	s30 =	simm.s32 @!p0 $0x5200;
	s5 =	sadd.s32 @!p0 s0, s5  }
0xca: {  	[tilespmem:s30], [sflag:$0x1] =	stream.strided.gather @!p0 [hbm4b:s5+s31], $0x1000, s4, s31, $0x38;
	[tilespmem:$0x14200] =	vst v63  }
0xcb: {  	s5 =	spop @!p0 (v2sf)  }
0xcc: {  	s5 =	sand.u32 @!p0 $0xFFFFF80, s5  }
0xcd: {  	s30 =	simm.s32 @!p0 $0x6200;
	s5 =	sadd.s32 @!p0 s0, s5  }
0xce: {  	[tilespmem:s30], [sflag:$0x1] =	stream.strided.gather @!p0 [hbm4b:s5+s31], $0x1000, s4, s31, $0x38;
	[tilespmem:$0x14200] =	vst v63  }
0xcf: {  	s5 =	spop @!p0 (v2sf)  }
0xd0: {  	s5 =	sand.u32 @!p0 $0xFFFFF80, s5  }
0xd1: {  	s30 =	simm.s32 @!p0 $0x7200;
	s5 =	sadd.s32 @!p0 s0, s5  }
0xd2: {  	[tilespmem:s30], [sflag:$0x1] =	stream.strided.gather @!p0 [hbm4b:s5+s31], $0x1000, s4, s31, $0x38;
	[tilespmem:$0x14200] =	vst v63  }
0xd3: {  	_ =	swait.ge [sflag:s29], $0x1000  }
0xd4: {  	[sflag:s29] =	ssyncset.done $0x0  }
0xd5: {  	[sflag:s29] =	ssyncadd.s32 $0xFFFFF000  }
0xd6: {  	_ =	swait.ge [sflag:s29], $0x1000  }
0xd7: {  	[sflag:s29] =	ssyncset.done $0x0  }
0xd8: {  	[sflag:s29] =	ssyncadd.s32 $0xFFFFF000  }
0xd9: {  	_ =	swait.ge [sflag:s29], $0x1000  }
0xda: {  	[sflag:s29] =	ssyncset.done $0x0  }
0xdb: {  	[sflag:s29] =	ssyncadd.s32 $0xFFFFF000  }
0xdc: {  	_ =	swait.ge [sflag:s29], $0x1000  }
0xdd: {  	[sflag:s29] =	ssyncset.done $0x0  }
0xde: {  	[sflag:s29] =	ssyncadd.s32 $0xFFFFF000  }
0xdf: {  	_ =	swait.ge [sflag:s29], $0x1000  }
0xe0: {  	[sflag:s29] =	ssyncset.done $0x0  }
0xe1: {  	[sflag:s29] =	ssyncadd.s32 $0xFFFFF000  }
0xe2: {  	_ =	swait.ge [sflag:s29], $0x1000  }
0xe3: {  	[sflag:s29] =	ssyncset.done $0x0  }
0xe4: {  	[sflag:s29] =	ssyncadd.s32 $0xFFFFF000  }
0xe5: {  	_ =	swait.ge [sflag:s29], $0x1000  }
0xe6: {  	[sflag:s29] =	ssyncset.done $0x0  }
0xe7: {  	[sflag:s29] =	ssyncadd.s32 $0xFFFFF000  }
0xe8: {  	_ =	swait.ge [sflag:s29], $0x1000  }
0xe9: {  	[sflag:s29] =	ssyncset.done $0x0  }
0xea: {  	[sflag:s29] =	ssyncadd.s32 $0xFFFFF000  }
0xeb: {  	v4 =	vld [tilespmem:s3+$0x0];
	_ =	sdelay $0x4  }
0xec: {  	(v2sf) =	vpush v4, $0x8;
	_ =	sdelay $0x6  }
0xed: {  	(v2sf) =	vpush v4, $0x9;
	_ =	sdelay $0x6  }
0xee: {  	(v2sf) =	vpush v4, $0xA  }
0xef: {  	s30 =	spop (v2sf)  }
0xf0: {  	s4 =	sand.u32 $0x7F, s30  }
0xf1: {  	s31 =	sadd.s32 $0xFFFFFFF9, s1;
	v5 =	vor.u32 s4, v0  }
0xf2: {  	v18 =	vmov s31;
	v19 =	vor.u32 s4, v1  }
0xf3: {  	v20 =	vshll.u32 v18, $0x3  }
0xf4: {  	v6 =	vand.u32 $0x78, v18;
	v8 =	vand.u32 $0xC00, v20  }
0xf5: {  	v6 =	vor.u32 v6, v8;
	(v2sf) =	vpush v4, $0xB  }
0xf6: {  	v8 =	vor.u32 v2, v6;
	s30 =	spop (v2sf);
	v5 =	vld.idx.msk [tilespmem:v5+s18+$0x0], $0xffff  }
0xf7: {  	v6 =	vor.u32 v3, v6;
	s4 =	sand.u32 $0x7F, s30;
	v7 =	vld.idx.msk [tilespmem:v19+s18+$0x0], $0xffff  }
0xf8: {  	s31 =	sadd.s32 $0xFFFFFFFA, s1;
	v21 =	vor.u32 s4, v0  }
0xf9: {  	v22 =	vmov s31;
	v23 =	vor.u32 s4, v1  }
0xfa: {  	v24 =	vshll.u32 v22, $0x3  }
0xfb: {  	v25 =	vand.u32 $0xC00, v24;
	[tilespmem:v8+s28+$0x0] =	vst.idx.msk $0xffff, v5;
	v5 =	vand.u32 $0x79, v22  }
0xfc: {  	(v2sf) =	vpush v4, $0xC;
	[tilespmem:v6+s28+$0x0] =	vst.idx.msk $0xffff, v7;
	v5 =	vor.u32 v5, v25  }
0xfd: {  	s30 =	spop (v2sf);
	v6 =	vld.idx.msk [tilespmem:v21+s19+$0x0], $0xffff;
	v26 =	vor.u32 v2, v5  }
0xfe: {  	s4 =	sand.u32 $0x7F, s30;
	v27 =	vld.idx.msk [tilespmem:v23+s19+$0x0], $0xffff;
	v5 =	vor.u32 v3, v5  }
0xff: {  	s31 =	sadd.s32 $0xFFFFFFFB, s1;
	v28 =	vor.u32 s4, v0  }
0x100: {  	v29 =	vmov s31;
	v30 =	vor.u32 s4, v1  }
0x101: {  	v31 =	vshll.u32 v29, $0x3  }
0x102: {  	v32 =	vand.u32 $0x7A, v29;
	v33 =	vand.u32 $0xC00, v31;
	[tilespmem:v26+s28+$0x0] =	vst.idx.msk $0xffff, v6  }
0x103: {  	(v2sf) =	vpush v4, $0xD;
	[tilespmem:v5+s28+$0x0] =	vst.idx.msk $0xffff, v27;
	v5 =	vor.u32 v32, v33  }
0x104: {  	s30 =	spop (v2sf);
	v34 =	vld.idx.msk [tilespmem:v28+s20+$0x0], $0xffff;
	v7 =	vor.u32 v2, v5  }
0x105: {  	s4 =	sand.u32 $0x7F, s30;
	v8 =	vld.idx.msk [tilespmem:v30+s20+$0x0], $0xffff;
	v5 =	vor.u32 v3, v5  }
0x106: {  	s31 =	sadd.s32 $0xFFFFFFFC, s1;
	v35 =	vor.u32 s4, v0  }
0x107: {  	v36 =	vmov s31;
	v37 =	vor.u32 s4, v1  }
0x108: {  	v38 =	vshll.u32 v36, $0x3  }
0x109: {  	v39 =	vand.u32 $0x7B, v36;
	v40 =	vand.u32 $0xC00, v38;
	[tilespmem:v7+s28+$0x0] =	vst.idx.msk $0xffff, v34  }
0x10a: {  	(v2sf) =	vpush v4, $0xE;
	[tilespmem:v5+s28+$0x0] =	vst.idx.msk $0xffff, v8;
	v5 =	vor.u32 v39, v40  }
0x10b: {  	s30 =	spop (v2sf);
	v41 =	vld.idx.msk [tilespmem:v35+s21+$0x0], $0xffff;
	v7 =	vor.u32 v2, v5  }
0x10c: {  	s4 =	sand.u32 $0x7F, s30;
	v8 =	vld.idx.msk [tilespmem:v37+s21+$0x0], $0xffff;
	v5 =	vor.u32 v3, v5  }
0x10d: {  	s31 =	sadd.s32 $0xFFFFFFFD, s1;
	v42 =	vor.u32 s4, v0  }
0x10e: {  	v43 =	vmov s31;
	v44 =	vor.u32 s4, v1  }
0x10f: {  	v45 =	vshll.u32 v43, $0x3  }
0x110: {  	v46 =	vand.u32 $0x7C, v43;
	v47 =	vand.u32 $0xC00, v45;
	[tilespmem:v7+s28+$0x0] =	vst.idx.msk $0xffff, v41  }
0x111: {  	(v2sf) =	vpush v4, $0xF;
	[tilespmem:v5+s28+$0x0] =	vst.idx.msk $0xffff, v8;
	v5 =	vor.u32 v46, v47  }
0x112: {  	s30 =	spop (v2sf);
	v4 =	vld.idx.msk [tilespmem:v42+s22+$0x0], $0xffff;
	v6 =	vor.u32 v2, v5  }
0x113: {  	s4 =	sand.u32 $0x7F, s30;
	v48 =	vld.idx.msk [tilespmem:v44+s22+$0x0], $0xffff;
	v5 =	vor.u32 v3, v5  }
0x114: {  	s31 =	sadd.s32 $0xFFFFFFFE, s1;
	v49 =	vor.u32 s4, v0  }
0x115: {  	v50 =	vmov s31;
	v51 =	vor.u32 s4, v1  }
0x116: {  	v52 =	vshll.u32 v50, $0x3  }
0x117: {  	v53 =	vand.u32 $0xC00, v52;
	[tilespmem:v6+s28+$0x0] =	vst.idx.msk $0xffff, v4;
	v4 =	vand.u32 $0x7D, v50  }
0x118: {  	[tilespmem:v5+s28+$0x0] =	vst.idx.msk $0xffff, v48;
	v4 =	vor.u32 v4, v53  }
0x119: {  	s5 =	spop (v2sf);
	v5 =	vld.idx.msk [tilespmem:v49+s23+$0x0], $0xffff;
	v6 =	vor.u32 v2, v4  }
0x11a: {  	s4 =	sand.u32 $0x7F, s5;
	v7 =	vld.idx.msk [tilespmem:v51+s23+$0x0], $0xffff;
	v4 =	vor.u32 v3, v4  }
0x11b: {  	s30 =	sadd.s32 $0xFFFFFFFF, s1;
	v54 =	vor.u32 s4, v0  }
0x11c: {  	v55 =	vmov s30;
	v56 =	vor.u32 s4, v1  }
0x11d: {  	v57 =	vshll.u32 v55, $0x3  }
0x11e: {  	v58 =	vand.u32 $0xC00, v57;
	[tilespmem:v6+s28+$0x0] =	vst.idx.msk $0xffff, v5;
	v5 =	vand.u32 $0x7E, v55  }
0x11f: {  	[tilespmem:v4+s28+$0x0] =	vst.idx.msk $0xffff, v7;
	v4 =	vor.u32 v5, v58  }
0x120: {  	s31 =	spop (v2sf);
	v5 =	vld.idx.msk [tilespmem:v54+s24+$0x0], $0xffff;
	v6 =	vor.u32 v2, v4  }
0x121: {  	s4 =	sand.u32 $0x7F, s31;
	v7 =	vld.idx.msk [tilespmem:v56+s24+$0x0], $0xffff;
	v4 =	vor.u32 v3, v4  }
0x122: {  	v59 =	vor.u32 s4, v0  }
0x123: {  	v61 =	vmov s1;
	v60 =	vor.u32 s4, v1  }
0x124: {  	v62 =	vshll.u32 v61, $0x3  }
0x125: {  	v63 =	vand.u32 $0xC00, v62;
	[tilespmem:v6+s28+$0x0] =	vst.idx.msk $0xffff, v5;
	v5 =	vand.u32 $0x7F, v61  }
0x126: {  	[tilespmem:v4+s28+$0x0] =	vst.idx.msk $0xffff, v7;
	v4 =	vor.u32 v5, v63  }
0x127: {  	s1 =	sadd.s32 $0x10, s1;
	v5 =	vld.idx.msk [tilespmem:v59+s25+$0x0], $0xffff;
	v6 =	vor.u32 v2, v4  }
0x128: {  	p0 =	sne.s32 s1, $0x20F;
	v7 =	vld.idx.msk [tilespmem:v60+s25+$0x0], $0xffff;
	v4 =	vor.u32 v3, v4  }
.Ltmp0:
0x129: {  	_ = 	snop;
	(pc) =	sbr.rel @p0 .LBB2_2-.Ltmp0, $3  }
0x12a: {  	_ =	sdelay $0x1  }
0x12b: {  	[tilespmem:v6+s28+$0x0] =	vst.idx.msk $0xffff, v5  }
0x12c: {  	s3 =	sadd.s32 $0x10, s3;
	[tilespmem:v4+s28+$0x0] =	vst.idx.msk $0xffff, v7  }
0x12d: {  	s2 =	sadd.s32 $0x1, s2  }
0x12e: {  	s1 =	rddreg [dreg:$0x5];
	p0 =	sne.s32 s2, s6  }
.Ltmp1:
0x12f: {  	s3 =	simm.s32 $0x1000;
	s4 =	simm.s32 $0x20000;
	(pc) =	sbr.rel @p0 .LBB2_1-.Ltmp1, $4  }
0x130: {  	[hbm4b:s1+s3] =	stream.strided.scatter [tilespmem:s28], [sflag:$0x3], $0x4000, s4, s3, $0x38;
	[tilespmem:$0x14200] =	vst v63  }
0x131: {  	_ =	swait.ge [sflag:s8], $0x4000  }
0x132: {  	[sflag:s8] =	ssyncset.done $0x0  }
0x133: {  	[sflag:s8] =	ssyncadd.s32 $0xFFFFC000  }
0x134: {  	_ =	sfence.sel $0x180000  }
0x135: {  	[bflag:$0x0] =	sbarrier.arrive $0xFFFF  }
0x136: {  	_ =	strace $0x90000047  }
0x137: {  	s0 =	stileid.u32;
	[bflag:$0x2] =	sbarrier.arrive $0xFFFF  }
0x138: {  	p0 =	sne.s32 s0, $0x0;
	s0 =	rddreg [dreg:$0x3]  }
0x139: {  	s0 =	sadd.s32 @!p0 $0x100000, s0  }
0x13a: {  	[sflag:s0] =	ssyncadd.tile.s32 @!p0 $0x1;
	_ =	shalt  }
.Lfunc_end2:
_tile_overlayer_lowered:
.L_overlay_start_2:
0x13b: {  	(tag) =	ssettag $0x2  }
0x13c: {  	s0 =	rddreg [dreg:$0x0];
	s2 =	stileid.u32  }
0x13d: {  	s1 =	rddreg [dreg:$0x1];
	p0 =	sne.s32 s2, $0x0  }
0x13e: {  	s3 =	rddreg [dreg:$0x2];
	[bflag:$0x3] =	sbarrier.arrive $0xFFFF;
	s2 =	simm.s32 @!p0 $0x1C04  }
0x13f: {  	[timem:s3], [sflag:s2] =	dma.local @!p0 [hbm:s0], s1  }
0x140: {  	s0 =	simm.s32 @!p0 $0x4  }
0x141: {  	_ =	swait.ge @!p0 [sflag:s0], s1  }
0x142: {  	s1 =	ssub.s32 @!p0 $0x0, s1;
	[sflag:s0] =	ssyncset.done @!p0 $0x0  }
0x143: {  	[sflag:s0] =	ssyncadd.s32 @!p0 s1  }
0x144: {  	[bflag:$0x3] =	sbarrier.arrive $0xFFFF  }
0x145: {  	_ =	shalt  }

</sc_bundles>
